<compile_context>
chip_gen: v7x
topology: tpu7x:2x2x1
jax: 0.10.2.dev20260603
libtpu: 0.0.44.dev20260713+nightly
codegen_flags: <defaults>
</compile_context>

<pallas_src>
import functools

import jax
import jax.numpy as jnp
from jax import lax
from jax.experimental import pallas as pl
from jax.experimental.pallas import tpu as pltpu
from jax.experimental.pallas import tpu_sc as plsc

B = 16384
D = 16
N = 5
OUT_D = 3 * D
NC = 2
NS = 16
NW = NC * NS
BPW = B // NW
CHUNK = 128
UCH = BPW // CHUNK
ICH = (BPW * N) // CHUNK

_MESH = plsc.VectorSubcoreMesh(core_axis_name="c", subcore_axis_name="s")


@functools.partial(
    pl.kernel,
    out_type=jax.ShapeDtypeStruct((B, OUT_D), jnp.float32),
    mesh=_MESH,
    compiler_params=pltpu.CompilerParams(use_tc_tiling_on_sc=False),
    scratch_types=[
        pltpu.VMEM((UCH, CHUNK), jnp.int32),
        pltpu.VMEM((ICH, CHUNK), jnp.int32),
        pltpu.VMEM((BPW, D), jnp.float32),
        pltpu.VMEM((BPW * N, D), jnp.float32),
        pltpu.VMEM((8, D), jnp.float32),
        pltpu.VMEM((BPW, OUT_D), jnp.float32),
        pltpu.SemaphoreType.DMA,
        pltpu.SemaphoreType.DMA,
    ],
)
def _sc_kernel(user_hbm, mem_hbm, utab_hbm, itab_hbm, w_hbm, out_hbm,
               uidx_v, midx_v, urows_v, irows_v, w_v, out_v, sem_u, sem_i):
    wid = lax.axis_index("s") * NC + lax.axis_index("c")
    base = wid * BPW

    pltpu.sync_copy(user_hbm.at[wid], uidx_v)
    pltpu.sync_copy(mem_hbm.at[wid], midx_v)
    pltpu.sync_copy(w_hbm, w_v)

    copies = []
    for j in range(UCH):
        copies.append(pltpu.async_copy(
            utab_hbm.at[uidx_v.at[j]],
            urows_v.at[pl.ds(j * CHUNK, CHUNK)], sem_u))
    for j in range(ICH):
        copies.append(pltpu.async_copy(
            itab_hbm.at[midx_v.at[j]],
            irows_v.at[pl.ds(j * CHUNK, CHUNK)], sem_i))
    for cp in copies:
        cp.wait()

    w0 = w_v[0]
    w1 = w_v[1]
    w2 = w_v[2]
    w3 = w_v[3]
    w4 = w_v[4]
    cb = w_v[5]

    def body(b, carry):
        ib = b * N
        drr = (cb + w0 * irows_v[ib] + w1 * irows_v[ib + 1]
               + w2 * irows_v[ib + 2] + w3 * irows_v[ib + 3]
               + w4 * irows_v[ib + 4])
        u = urows_v[b]
        out_v[b, pl.ds(0, D)] = u
        out_v[b, pl.ds(D, D)] = u * drr
        out_v[b, pl.ds(2 * D, D)] = drr
        return carry

    lax.fori_loop(0, BPW, body, 0)

    pltpu.sync_copy(out_v, out_hbm.at[pl.ds(base, BPW)])


def kernel(user, memory, user_table, item_table, conv_w, conv_b):
    user2d = user.astype(jnp.int32).reshape(NW, UCH, CHUNK)
    mem2d = memory.astype(jnp.int32).reshape(NW, ICH, CHUNK)
    w = conv_w[0, :, 0]
    wpad = jnp.zeros((8,), jnp.float32).at[:N].set(w).at[N].set(conv_b[0])
    w_rows = jnp.broadcast_to(wpad[:, None], (8, D))
    return _sc_kernel(user2d, mem2d, user_table, item_table, w_rows)

# --- scband reference (transcript-rebuilt; emitter-appended) ---
"""Pipeline reference for scband-state-repr-module-6433861009720 (READ-ONLY COPY).

The authoritative reference and input builder live on the scoring server;
editing this copy changes nothing except your own understanding.
"""

import jax, jax.numpy as jnp
import numpy as np

USER_NUM = 1000000
ITEM_NUM = 1000000
EMBED_DIM = 16
N_HIST = 5
BATCH = 16384

def setup_inputs(seed: int = 0) -> dict:
    key = jax.random.key(seed)
    k1, k2, k3, k4, k5, k6 = jax.random.split(key, 6)
    user = jax.random.randint(k1, (BATCH,), 0, USER_NUM, dtype=jnp.int64)
    memory = jax.random.randint(k2, (BATCH, N_HIST), 0, ITEM_NUM, dtype=jnp.int64)
    user_table = 0.01 * jax.random.normal(k3, (USER_NUM, EMBED_DIM), dtype=jnp.float32)
    item_table = 0.01 * jax.random.normal(k4, (ITEM_NUM + 1, EMBED_DIM), dtype=jnp.float32)
    item_table = item_table.at[-1].set(0.0)  # padding_idx row zeroed
    conv_w = jax.random.uniform(k5, (1, N_HIST, 1), dtype=jnp.float32)  # Conv1d weight [out=1, in=5, k=1]
    conv_b = jnp.zeros((1,), dtype=jnp.float32)
    return {"user": user, "memory": memory, "user_table": user_table, "item_table": item_table, "conv_w": conv_w, "conv_b": conv_b}

def reference(user, memory, user_table, item_table, conv_w, conv_b):
    # user_embeddings lookup: [B, D]
    user_embedding = jnp.take(user_table, user, axis=0)
    # item_embeddings lookup: [B, N, D]
    item_embeddings = jnp.take(item_table, memory, axis=0)
    # Conv1d(in=N, out=1, kernel=1) over channel dim, then squeeze(1): [B, D]
    w = conv_w[0, :, 0]  # [N]
    drr_ave = jnp.sum(item_embeddings * w[None, :, None], axis=1) + conv_b[0]
    return jnp.concatenate((user_embedding, user_embedding * drr_ave, drr_ave), axis=1)

if __name__ == "__main__":
    import jax
    _d = setup_inputs()
    print(jax.jit(kernel)(*tuple(_d.values())))

</pallas_src>

<mosaic_0001>
#map = affine_map<(d0, d1) -> (0, 0, 0)>
#map1 = affine_map<(d0, d1) -> (0, 0)>
module attributes {stable_mosaic.version = 14 : i64} {
  func.func @_sc_kernel(%arg0: i32, %arg1: i32, %arg2: memref<32x4x128xi32, #tpu.memory_space<hbm>>, %arg3: memref<32x20x128xi32, #tpu.memory_space<hbm>>, %arg4: memref<1000000x16xf32, #tpu.memory_space<hbm>>, %arg5: memref<1000001x16xf32, #tpu.memory_space<hbm>>, %arg6: memref<8x16xf32, #tpu.memory_space<hbm>>, %arg7: memref<16384x48xf32, #tpu.memory_space<hbm>>, %arg8: memref<4x128xi32, #tpu.memory_space<vmem>>, %arg9: memref<20x128xi32, #tpu.memory_space<vmem>>, %arg10: memref<512x16xf32, #tpu.memory_space<vmem>>, %arg11: memref<2560x16xf32, #tpu.memory_space<vmem>>, %arg12: memref<8x16xf32, #tpu.memory_space<vmem>>, %arg13: memref<512x48xf32, #tpu.memory_space<vmem>>, %arg14: memref<!tpu.dma_semaphore, #tpu.memory_space<semaphore_mem>>, %arg15: memref<!tpu.dma_semaphore, #tpu.memory_space<semaphore_mem>>) attributes {dimension_semantics = [#tpu.dimension_semantics<core_parallel>, #tpu.dimension_semantics<subcore_parallel>], iteration_bounds = array<i64: 2, 16>, scalar_prefetch = 0 : i64, scratch_operands = 8 : i64, tpu.core_type = #tpu.core_type<sc_vector_subcore>, window_params = [{transform_indices = #map}, {transform_indices = #map}, {transform_indices = #map1}, {transform_indices = #map1}, {transform_indices = #map1}, {transform_indices = #map1}]} {
    %mul3A = arith.constant 2 : i32
    %mul3A_0 = arith.muli %arg1, %mul3A : i32
    %add3A = arith.addi %mul3A_0, %arg0 : i32
    %mul3A_1 = arith.constant 512 : i32
    %mul3A_2 = arith.muli %add3A, %mul3A_1 : i32
    "tpu.region"() ({
      %run_scoped3A = tpu.sem_alloc : memref<!tpu.dma_semaphore, #tpu.memory_space<semaphore_mem>>
      %dma_start3A_515 = arith.constant 0 : i32
      %dma_start3A_516 = arith.constant 0 : i32
      %dma_start3A_517 = tpu.memref_slice %arg2[%add3A, %dma_start3A_515, %dma_start3A_516] : memref<32x4x128xi32, #tpu.memory_space<hbm>> -> memref<1x4x128xi32, #tpu.memory_space<hbm>>
      %dma_start3A_518 = tpu.memref_squeeze %dma_start3A_517 : memref<1x4x128xi32, #tpu.memory_space<hbm>> -> memref<4x128xi32, #tpu.memory_space<hbm>>
      %dma_start3A_519 = arith.constant 0 : i32
      %dma_start3A_520 = arith.constant 0 : i32
      %dma_start3A_521 = tpu.memref_slice %arg2[%add3A, %dma_start3A_519, %dma_start3A_520] : memref<32x4x128xi32, #tpu.memory_space<hbm>> -> memref<1x4x128xi32, #tpu.memory_space<hbm>>
      %dma_start3A_522 = tpu.memref_squeeze %dma_start3A_521 : memref<1x4x128xi32, #tpu.memory_space<hbm>> -> memref<4x128xi32, #tpu.memory_space<hbm>>
      tpu.enqueue_dma source(%dma_start3A_522 : memref<4x128xi32, #tpu.memory_space<hbm>>) target(%arg8 : memref<4x128xi32, #tpu.memory_space<vmem>>) target_semaphore(%run_scoped3A : memref<!tpu.dma_semaphore, #tpu.memory_space<semaphore_mem>>)
      %dma_wait3A_523 = arith.constant 0 : i32
      %dma_wait3A_524 = arith.constant 0 : i32
      %dma_wait3A_525 = tpu.memref_slice %arg2[%add3A, %dma_wait3A_523, %dma_wait3A_524] : memref<32x4x128xi32, #tpu.memory_space<hbm>> -> memref<1x4x128xi32, #tpu.memory_space<hbm>>
      %dma_wait3A_526 = tpu.memref_squeeze %dma_wait3A_525 : memref<1x4x128xi32, #tpu.memory_space<hbm>> -> memref<4x128xi32, #tpu.memory_space<hbm>>
      %dma_wait3A_527 = arith.constant 0 : i32
      %dma_wait3A_528 = arith.constant 0 : i32
      %dma_wait3A_529 = tpu.memref_slice %arg2[%add3A, %dma_wait3A_527, %dma_wait3A_528] : memref<32x4x128xi32, #tpu.memory_space<hbm>> -> memref<1x4x128xi32, #tpu.memory_space<hbm>>
      %dma_wait3A_530 = tpu.memref_squeeze %dma_wait3A_529 : memref<1x4x128xi32, #tpu.memory_space<hbm>> -> memref<4x128xi32, #tpu.memory_space<hbm>>
      tpu.wait_dma2 semaphore(%run_scoped3A : memref<!tpu.dma_semaphore, #tpu.memory_space<semaphore_mem>>) src(%dma_wait3A_530 : memref<4x128xi32, #tpu.memory_space<hbm>>) dst(%arg8 : memref<4x128xi32, #tpu.memory_space<vmem>>)
      tpu.yield
    }) : () -> ()
    "tpu.region"() ({
      %run_scoped3A = tpu.sem_alloc : memref<!tpu.dma_semaphore, #tpu.memory_space<semaphore_mem>>
      %dma_start3A_515 = arith.constant 0 : i32
      %dma_start3A_516 = arith.constant 0 : i32
      %dma_start3A_517 = tpu.memref_slice %arg3[%add3A, %dma_start3A_515, %dma_start3A_516] : memref<32x20x128xi32, #tpu.memory_space<hbm>> -> memref<1x20x128xi32, #tpu.memory_space<hbm>>
      %dma_start3A_518 = tpu.memref_squeeze %dma_start3A_517 : memref<1x20x128xi32, #tpu.memory_space<hbm>> -> memref<20x128xi32, #tpu.memory_space<hbm>>
      %dma_start3A_519 = arith.constant 0 : i32
      %dma_start3A_520 = arith.constant 0 : i32
      %dma_start3A_521 = tpu.memref_slice %arg3[%add3A, %dma_start3A_519, %dma_start3A_520] : memref<32x20x128xi32, #tpu.memory_space<hbm>> -> memref<1x20x128xi32, #tpu.memory_space<hbm>>
      %dma_start3A_522 = tpu.memref_squeeze %dma_start3A_521 : memref<1x20x128xi32, #tpu.memory_space<hbm>> -> memref<20x128xi32, #tpu.memory_space<hbm>>
      tpu.enqueue_dma source(%dma_start3A_522 : memref<20x128xi32, #tpu.memory_space<hbm>>) target(%arg9 : memref<20x128xi32, #tpu.memory_space<vmem>>) target_semaphore(%run_scoped3A : memref<!tpu.dma_semaphore, #tpu.memory_space<semaphore_mem>>)
      %dma_wait3A_523 = arith.constant 0 : i32
      %dma_wait3A_524 = arith.constant 0 : i32
      %dma_wait3A_525 = tpu.memref_slice %arg3[%add3A, %dma_wait3A_523, %dma_wait3A_524] : memref<32x20x128xi32, #tpu.memory_space<hbm>> -> memref<1x20x128xi32, #tpu.memory_space<hbm>>
      %dma_wait3A_526 = tpu.memref_squeeze %dma_wait3A_525 : memref<1x20x128xi32, #tpu.memory_space<hbm>> -> memref<20x128xi32, #tpu.memory_space<hbm>>
      %dma_wait3A_527 = arith.constant 0 : i32
      %dma_wait3A_528 = arith.constant 0 : i32
      %dma_wait3A_529 = tpu.memref_slice %arg3[%add3A, %dma_wait3A_527, %dma_wait3A_528] : memref<32x20x128xi32, #tpu.memory_space<hbm>> -> memref<1x20x128xi32, #tpu.memory_space<hbm>>
      %dma_wait3A_530 = tpu.memref_squeeze %dma_wait3A_529 : memref<1x20x128xi32, #tpu.memory_space<hbm>> -> memref<20x128xi32, #tpu.memory_space<hbm>>
      tpu.wait_dma2 semaphore(%run_scoped3A : memref<!tpu.dma_semaphore, #tpu.memory_space<semaphore_mem>>) src(%dma_wait3A_530 : memref<20x128xi32, #tpu.memory_space<hbm>>) dst(%arg9 : memref<20x128xi32, #tpu.memory_space<vmem>>)
      tpu.yield
    }) : () -> ()
    "tpu.region"() ({
      %run_scoped3A = tpu.sem_alloc : memref<!tpu.dma_semaphore, #tpu.memory_space<semaphore_mem>>
      tpu.enqueue_dma source(%arg6 : memref<8x16xf32, #tpu.memory_space<hbm>>) target(%arg12 : memref<8x16xf32, #tpu.memory_space<vmem>>) target_semaphore(%run_scoped3A : memref<!tpu.dma_semaphore, #tpu.memory_space<semaphore_mem>>)
      tpu.wait_dma2 semaphore(%run_scoped3A : memref<!tpu.dma_semaphore, #tpu.memory_space<semaphore_mem>>) src(%arg6 : memref<8x16xf32, #tpu.memory_space<hbm>>) dst(%arg12 : memref<8x16xf32, #tpu.memory_space<vmem>>)
      tpu.yield
    }) : () -> ()
    %dma_start3A = arith.constant 0 : i32
    %dma_start3A_3 = arith.constant 0 : i32
    %dma_start3A_4 = arith.constant 0 : i32
    %dma_start3A_5 = tpu.memref_slice %arg10[%dma_start3A_3, %dma_start3A_4] : memref<512x16xf32, #tpu.memory_space<vmem>> -> memref<128x16xf32, #tpu.memory_space<vmem>>
    %dma_start3A_6 = arith.constant 0 : i32
    %dma_start3A_7 = tpu.memref_slice %arg8[%dma_start3A, %dma_start3A_6] : memref<4x128xi32, #tpu.memory_space<vmem>> -> memref<1x128xi32, #tpu.memory_space<vmem>>
    %dma_start3A_8 = tpu.memref_squeeze %dma_start3A_7 : memref<1x128xi32, #tpu.memory_space<vmem>> -> memref<128xi32, #tpu.memory_space<vmem>>
    %dma_start3A_9 = arith.constant 0 : i32
    %dma_start3A_10 = arith.constant 0 : i32
    %dma_start3A_11 = tpu.memref_slice %arg4[%dma_start3A_9, %dma_start3A_10] : memref<1000000x16xf32, #tpu.memory_space<hbm>> -> memref<1000000x16xf32, #tpu.memory_space<hbm>>
    tpu.enqueue_indirect_dma source(%dma_start3A_11 : memref<1000000x16xf32, #tpu.memory_space<hbm>>) target(%dma_start3A_5 : memref<128x16xf32, #tpu.memory_space<vmem>>) offsets(%dma_start3A_8 : memref<128xi32, #tpu.memory_space<vmem>>) semaphore(%arg14 : memref<!tpu.dma_semaphore, #tpu.memory_space<semaphore_mem>>)
    %dma_start3A_12 = arith.constant 1 : i32
    %dma_start3A_13 = arith.constant 128 : i32
    %dma_start3A_14 = arith.constant 0 : i32
    %dma_start3A_15 = tpu.memref_slice %arg10[%dma_start3A_13, %dma_start3A_14] : memref<512x16xf32, #tpu.memory_space<vmem>> -> memref<128x16xf32, #tpu.memory_space<vmem>>
    %dma_start3A_16 = arith.constant 0 : i32
    %dma_start3A_17 = tpu.memref_slice %arg8[%dma_start3A_12, %dma_start3A_16] : memref<4x128xi32, #tpu.memory_space<vmem>> -> memref<1x128xi32, #tpu.memory_space<vmem>>
    %dma_start3A_18 = tpu.memref_squeeze %dma_start3A_17 : memref<1x128xi32, #tpu.memory_space<vmem>> -> memref<128xi32, #tpu.memory_space<vmem>>
    %dma_start3A_19 = arith.constant 0 : i32
    %dma_start3A_20 = arith.constant 0 : i32
    %dma_start3A_21 = tpu.memref_slice %arg4[%dma_start3A_19, %dma_start3A_20] : memref<1000000x16xf32, #tpu.memory_space<hbm>> -> memref<1000000x16xf32, #tpu.memory_space<hbm>>
    tpu.enqueue_indirect_dma source(%dma_start3A_21 : memref<1000000x16xf32, #tpu.memory_space<hbm>>) target(%dma_start3A_15 : memref<128x16xf32, #tpu.memory_space<vmem>>) offsets(%dma_start3A_18 : memref<128xi32, #tpu.memory_space<vmem>>) semaphore(%arg14 : memref<!tpu.dma_semaphore, #tpu.memory_space<semaphore_mem>>)
    %dma_start3A_22 = arith.constant 2 : i32
    %dma_start3A_23 = arith.constant 256 : i32
    %dma_start3A_24 = arith.constant 0 : i32
    %dma_start3A_25 = tpu.memref_slice %arg10[%dma_start3A_23, %dma_start3A_24] : memref<512x16xf32, #tpu.memory_space<vmem>> -> memref<128x16xf32, #tpu.memory_space<vmem>>
    %dma_start3A_26 = arith.constant 0 : i32
    %dma_start3A_27 = tpu.memref_slice %arg8[%dma_start3A_22, %dma_start3A_26] : memref<4x128xi32, #tpu.memory_space<vmem>> -> memref<1x128xi32, #tpu.memory_space<vmem>>
    %dma_start3A_28 = tpu.memref_squeeze %dma_start3A_27 : memref<1x128xi32, #tpu.memory_space<vmem>> -> memref<128xi32, #tpu.memory_space<vmem>>
    %dma_start3A_29 = arith.constant 0 : i32
    %dma_start3A_30 = arith.constant 0 : i32
    %dma_start3A_31 = tpu.memref_slice %arg4[%dma_start3A_29, %dma_start3A_30] : memref<1000000x16xf32, #tpu.memory_space<hbm>> -> memref<1000000x16xf32, #tpu.memory_space<hbm>>
    tpu.enqueue_indirect_dma source(%dma_start3A_31 : memref<1000000x16xf32, #tpu.memory_space<hbm>>) target(%dma_start3A_25 : memref<128x16xf32, #tpu.memory_space<vmem>>) offsets(%dma_start3A_28 : memref<128xi32, #tpu.memory_space<vmem>>) semaphore(%arg14 : memref<!tpu.dma_semaphore, #tpu.memory_space<semaphore_mem>>)
    %dma_start3A_32 = arith.constant 3 : i32
    %dma_start3A_33 = arith.constant 384 : i32
    %dma_start3A_34 = arith.constant 0 : i32
    %dma_start3A_35 = tpu.memref_slice %arg10[%dma_start3A_33, %dma_start3A_34] : memref<512x16xf32, #tpu.memory_space<vmem>> -> memref<128x16xf32, #tpu.memory_space<vmem>>
    %dma_start3A_36 = arith.constant 0 : i32
    %dma_start3A_37 = tpu.memref_slice %arg8[%dma_start3A_32, %dma_start3A_36] : memref<4x128xi32, #tpu.memory_space<vmem>> -> memref<1x128xi32, #tpu.memory_space<vmem>>
    %dma_start3A_38 = tpu.memref_squeeze %dma_start3A_37 : memref<1x128xi32, #tpu.memory_space<vmem>> -> memref<128xi32, #tpu.memory_space<vmem>>
    %dma_start3A_39 = arith.constant 0 : i32
    %dma_start3A_40 = arith.constant 0 : i32
    %dma_start3A_41 = tpu.memref_slice %arg4[%dma_start3A_39, %dma_start3A_40] : memref<1000000x16xf32, #tpu.memory_space<hbm>> -> memref<1000000x16xf32, #tpu.memory_space<hbm>>
    tpu.enqueue_indirect_dma source(%dma_start3A_41 : memref<1000000x16xf32, #tpu.memory_space<hbm>>) target(%dma_start3A_35 : memref<128x16xf32, #tpu.memory_space<vmem>>) offsets(%dma_start3A_38 : memref<128xi32, #tpu.memory_space<vmem>>) semaphore(%arg14 : memref<!tpu.dma_semaphore, #tpu.memory_space<semaphore_mem>>)
    %dma_start3A_42 = arith.constant 0 : i32
    %dma_start3A_43 = arith.constant 0 : i32
    %dma_start3A_44 = arith.constant 0 : i32
    %dma_start3A_45 = tpu.memref_slice %arg11[%dma_start3A_43, %dma_start3A_44] : memref<2560x16xf32, #tpu.memory_space<vmem>> -> memref<128x16xf32, #tpu.memory_space<vmem>>
    %dma_start3A_46 = arith.constant 0 : i32
    %dma_start3A_47 = tpu.memref_slice %arg9[%dma_start3A_42, %dma_start3A_46] : memref<20x128xi32, #tpu.memory_space<vmem>> -> memref<1x128xi32, #tpu.memory_space<vmem>>
    %dma_start3A_48 = tpu.memref_squeeze %dma_start3A_47 : memref<1x128xi32, #tpu.memory_space<vmem>> -> memref<128xi32, #tpu.memory_space<vmem>>
    %dma_start3A_49 = arith.constant 0 : i32
    %dma_start3A_50 = arith.constant 0 : i32
    %dma_start3A_51 = tpu.memref_slice %arg5[%dma_start3A_49, %dma_start3A_50] : memref<1000001x16xf32, #tpu.memory_space<hbm>> -> memref<1000001x16xf32, #tpu.memory_space<hbm>>
    tpu.enqueue_indirect_dma source(%dma_start3A_51 : memref<1000001x16xf32, #tpu.memory_space<hbm>>) target(%dma_start3A_45 : memref<128x16xf32, #tpu.memory_space<vmem>>) offsets(%dma_start3A_48 : memref<128xi32, #tpu.memory_space<vmem>>) semaphore(%arg15 : memref<!tpu.dma_semaphore, #tpu.memory_space<semaphore_mem>>)
    %dma_start3A_52 = arith.constant 1 : i32
    %dma_start3A_53 = arith.constant 128 : i32
    %dma_start3A_54 = arith.constant 0 : i32
    %dma_start3A_55 = tpu.memref_slice %arg11[%dma_start3A_53, %dma_start3A_54] : memref<2560x16xf32, #tpu.memory_space<vmem>> -> memref<128x16xf32, #tpu.memory_space<vmem>>
    %dma_start3A_56 = arith.constant 0 : i32
    %dma_start3A_57 = tpu.memref_slice %arg9[%dma_start3A_52, %dma_start3A_56] : memref<20x128xi32, #tpu.memory_space<vmem>> -> memref<1x128xi32, #tpu.memory_space<vmem>>
    %dma_start3A_58 = tpu.memref_squeeze %dma_start3A_57 : memref<1x128xi32, #tpu.memory_space<vmem>> -> memref<128xi32, #tpu.memory_space<vmem>>
    %dma_start3A_59 = arith.constant 0 : i32
    %dma_start3A_60 = arith.constant 0 : i32
    %dma_start3A_61 = tpu.memref_slice %arg5[%dma_start3A_59, %dma_start3A_60] : memref<1000001x16xf32, #tpu.memory_space<hbm>> -> memref<1000001x16xf32, #tpu.memory_space<hbm>>
    tpu.enqueue_indirect_dma source(%dma_start3A_61 : memref<1000001x16xf32, #tpu.memory_space<hbm>>) target(%dma_start3A_55 : memref<128x16xf32, #tpu.memory_space<vmem>>) offsets(%dma_start3A_58 : memref<128xi32, #tpu.memory_space<vmem>>) semaphore(%arg15 : memref<!tpu.dma_semaphore, #tpu.memory_space<semaphore_mem>>)
    %dma_start3A_62 = arith.constant 2 : i32
    %dma_start3A_63 = arith.constant 256 : i32
    %dma_start3A_64 = arith.constant 0 : i32
    %dma_start3A_65 = tpu.memref_slice %arg11[%dma_start3A_63, %dma_start3A_64] : memref<2560x16xf32, #tpu.memory_space<vmem>> -> memref<128x16xf32, #tpu.memory_space<vmem>>
    %dma_start3A_66 = arith.constant 0 : i32
    %dma_start3A_67 = tpu.memref_slice %arg9[%dma_start3A_62, %dma_start3A_66] : memref<20x128xi32, #tpu.memory_space<vmem>> -> memref<1x128xi32, #tpu.memory_space<vmem>>
    %dma_start3A_68 = tpu.memref_squeeze %dma_start3A_67 : memref<1x128xi32, #tpu.memory_space<vmem>> -> memref<128xi32, #tpu.memory_space<vmem>>
    %dma_start3A_69 = arith.constant 0 : i32
    %dma_start3A_70 = arith.constant 0 : i32
    %dma_start3A_71 = tpu.memref_slice %arg5[%dma_start3A_69, %dma_start3A_70] : memref<1000001x16xf32, #tpu.memory_space<hbm>> -> memref<1000001x16xf32, #tpu.memory_space<hbm>>
    tpu.enqueue_indirect_dma source(%dma_start3A_71 : memref<1000001x16xf32, #tpu.memory_space<hbm>>) target(%dma_start3A_65 : memref<128x16xf32, #tpu.memory_space<vmem>>) offsets(%dma_start3A_68 : memref<128xi32, #tpu.memory_space<vmem>>) semaphore(%arg15 : memref<!tpu.dma_semaphore, #tpu.memory_space<semaphore_mem>>)
    %dma_start3A_72 = arith.constant 3 : i32
    %dma_start3A_73 = arith.constant 384 : i32
    %dma_start3A_74 = arith.constant 0 : i32
    %dma_start3A_75 = tpu.memref_slice %arg11[%dma_start3A_73, %dma_start3A_74] : memref<2560x16xf32, #tpu.memory_space<vmem>> -> memref<128x16xf32, #tpu.memory_space<vmem>>
    %dma_start3A_76 = arith.constant 0 : i32
    %dma_start3A_77 = tpu.memref_slice %arg9[%dma_start3A_72, %dma_start3A_76] : memref<20x128xi32, #tpu.memory_space<vmem>> -> memref<1x128xi32, #tpu.memory_space<vmem>>
    %dma_start3A_78 = tpu.memref_squeeze %dma_start3A_77 : memref<1x128xi32, #tpu.memory_space<vmem>> -> memref<128xi32, #tpu.memory_space<vmem>>
    %dma_start3A_79 = arith.constant 0 : i32
    %dma_start3A_80 = arith.constant 0 : i32
    %dma_start3A_81 = tpu.memref_slice %arg5[%dma_start3A_79, %dma_start3A_80] : memref<1000001x16xf32, #tpu.memory_space<hbm>> -> memref<1000001x16xf32, #tpu.memory_space<hbm>>
    tpu.enqueue_indirect_dma source(%dma_start3A_81 : memref<1000001x16xf32, #tpu.memory_space<hbm>>) target(%dma_start3A_75 : memref<128x16xf32, #tpu.memory_space<vmem>>) offsets(%dma_start3A_78 : memref<128xi32, #tpu.memory_space<vmem>>) semaphore(%arg15 : memref<!tpu.dma_semaphore, #tpu.memory_space<semaphore_mem>>)
    %dma_start3A_82 = arith.constant 4 : i32
    %dma_start3A_83 = arith.constant 512 : i32
    %dma_start3A_84 = arith.constant 0 : i32
    %dma_start3A_85 = tpu.memref_slice %arg11[%dma_start3A_83, %dma_start3A_84] : memref<2560x16xf32, #tpu.memory_space<vmem>> -> memref<128x16xf32, #tpu.memory_space<vmem>>
    %dma_start3A_86 = arith.constant 0 : i32
    %dma_start3A_87 = tpu.memref_slice %arg9[%dma_start3A_82, %dma_start3A_86] : memref<20x128xi32, #tpu.memory_space<vmem>> -> memref<1x128xi32, #tpu.memory_space<vmem>>
    %dma_start3A_88 = tpu.memref_squeeze %dma_start3A_87 : memref<1x128xi32, #tpu.memory_space<vmem>> -> memref<128xi32, #tpu.memory_space<vmem>>
    %dma_start3A_89 = arith.constant 0 : i32
    %dma_start3A_90 = arith.constant 0 : i32
    %dma_start3A_91 = tpu.memref_slice %arg5[%dma_start3A_89, %dma_start3A_90] : memref<1000001x16xf32, #tpu.memory_space<hbm>> -> memref<1000001x16xf32, #tpu.memory_space<hbm>>
    tpu.enqueue_indirect_dma source(%dma_start3A_91 : memref<1000001x16xf32, #tpu.memory_space<hbm>>) target(%dma_start3A_85 : memref<128x16xf32, #tpu.memory_space<vmem>>) offsets(%dma_start3A_88 : memref<128xi32, #tpu.memory_space<vmem>>) semaphore(%arg15 : memref<!tpu.dma_semaphore, #tpu.memory_space<semaphore_mem>>)
    %dma_start3A_92 = arith.constant 5 : i32
    %dma_start3A_93 = arith.constant 640 : i32
    %dma_start3A_94 = arith.constant 0 : i32
    %dma_start3A_95 = tpu.memref_slice %arg11[%dma_start3A_93, %dma_start3A_94] : memref<2560x16xf32, #tpu.memory_space<vmem>> -> memref<128x16xf32, #tpu.memory_space<vmem>>
    %dma_start3A_96 = arith.constant 0 : i32
    %dma_start3A_97 = tpu.memref_slice %arg9[%dma_start3A_92, %dma_start3A_96] : memref<20x128xi32, #tpu.memory_space<vmem>> -> memref<1x128xi32, #tpu.memory_space<vmem>>
    %dma_start3A_98 = tpu.memref_squeeze %dma_start3A_97 : memref<1x128xi32, #tpu.memory_space<vmem>> -> memref<128xi32, #tpu.memory_space<vmem>>
    %dma_start3A_99 = arith.constant 0 : i32
    %dma_start3A_100 = arith.constant 0 : i32
    %dma_start3A_101 = tpu.memref_slice %arg5[%dma_start3A_99, %dma_start3A_100] : memref<1000001x16xf32, #tpu.memory_space<hbm>> -> memref<1000001x16xf32, #tpu.memory_space<hbm>>
    tpu.enqueue_indirect_dma source(%dma_start3A_101 : memref<1000001x16xf32, #tpu.memory_space<hbm>>) target(%dma_start3A_95 : memref<128x16xf32, #tpu.memory_space<vmem>>) offsets(%dma_start3A_98 : memref<128xi32, #tpu.memory_space<vmem>>) semaphore(%arg15 : memref<!tpu.dma_semaphore, #tpu.memory_space<semaphore_mem>>)
    %dma_start3A_102 = arith.constant 6 : i32
    %dma_start3A_103 = arith.constant 768 : i32
    %dma_start3A_104 = arith.constant 0 : i32
    %dma_start3A_105 = tpu.memref_slice %arg11[%dma_start3A_103, %dma_start3A_104] : memref<2560x16xf32, #tpu.memory_space<vmem>> -> memref<128x16xf32, #tpu.memory_space<vmem>>
    %dma_start3A_106 = arith.constant 0 : i32
    %dma_start3A_107 = tpu.memref_slice %arg9[%dma_start3A_102, %dma_start3A_106] : memref<20x128xi32, #tpu.memory_space<vmem>> -> memref<1x128xi32, #tpu.memory_space<vmem>>
    %dma_start3A_108 = tpu.memref_squeeze %dma_start3A_107 : memref<1x128xi32, #tpu.memory_space<vmem>> -> memref<128xi32, #tpu.memory_space<vmem>>
    %dma_start3A_109 = arith.constant 0 : i32
    %dma_start3A_110 = arith.constant 0 : i32
    %dma_start3A_111 = tpu.memref_slice %arg5[%dma_start3A_109, %dma_start3A_110] : memref<1000001x16xf32, #tpu.memory_space<hbm>> -> memref<1000001x16xf32, #tpu.memory_space<hbm>>
    tpu.enqueue_indirect_dma source(%dma_start3A_111 : memref<1000001x16xf32, #tpu.memory_space<hbm>>) target(%dma_start3A_105 : memref<128x16xf32, #tpu.memory_space<vmem>>) offsets(%dma_start3A_108 : memref<128xi32, #tpu.memory_space<vmem>>) semaphore(%arg15 : memref<!tpu.dma_semaphore, #tpu.memory_space<semaphore_mem>>)
    %dma_start3A_112 = arith.constant 7 : i32
    %dma_start3A_113 = arith.constant 896 : i32
    %dma_start3A_114 = arith.constant 0 : i32
    %dma_start3A_115 = tpu.memref_slice %arg11[%dma_start3A_113, %dma_start3A_114] : memref<2560x16xf32, #tpu.memory_space<vmem>> -> memref<128x16xf32, #tpu.memory_space<vmem>>
    %dma_start3A_116 = arith.constant 0 : i32
    %dma_start3A_117 = tpu.memref_slice %arg9[%dma_start3A_112, %dma_start3A_116] : memref<20x128xi32, #tpu.memory_space<vmem>> -> memref<1x128xi32, #tpu.memory_space<vmem>>
    %dma_start3A_118 = tpu.memref_squeeze %dma_start3A_117 : memref<1x128xi32, #tpu.memory_space<vmem>> -> memref<128xi32, #tpu.memory_space<vmem>>
    %dma_start3A_119 = arith.constant 0 : i32
    %dma_start3A_120 = arith.constant 0 : i32
    %dma_start3A_121 = tpu.memref_slice %arg5[%dma_start3A_119, %dma_start3A_120] : memref<1000001x16xf32, #tpu.memory_space<hbm>> -> memref<1000001x16xf32, #tpu.memory_space<hbm>>
    tpu.enqueue_indirect_dma source(%dma_start3A_121 : memref<1000001x16xf32, #tpu.memory_space<hbm>>) target(%dma_start3A_115 : memref<128x16xf32, #tpu.memory_space<vmem>>) offsets(%dma_start3A_118 : memref<128xi32, #tpu.memory_space<vmem>>) semaphore(%arg15 : memref<!tpu.dma_semaphore, #tpu.memory_space<semaphore_mem>>)
    %dma_start3A_122 = arith.constant 8 : i32
    %dma_start3A_123 = arith.constant 1024 : i32
    %dma_start3A_124 = arith.constant 0 : i32
    %dma_start3A_125 = tpu.memref_slice %arg11[%dma_start3A_123, %dma_start3A_124] : memref<2560x16xf32, #tpu.memory_space<vmem>> -> memref<128x16xf32, #tpu.memory_space<vmem>>
    %dma_start3A_126 = arith.constant 0 : i32
    %dma_start3A_127 = tpu.memref_slice %arg9[%dma_start3A_122, %dma_start3A_126] : memref<20x128xi32, #tpu.memory_space<vmem>> -> memref<1x128xi32, #tpu.memory_space<vmem>>
    %dma_start3A_128 = tpu.memref_squeeze %dma_start3A_127 : memref<1x128xi32, #tpu.memory_space<vmem>> -> memref<128xi32, #tpu.memory_space<vmem>>
    %dma_start3A_129 = arith.constant 0 : i32
    %dma_start3A_130 = arith.constant 0 : i32
    %dma_start3A_131 = tpu.memref_slice %arg5[%dma_start3A_129, %dma_start3A_130] : memref<1000001x16xf32, #tpu.memory_space<hbm>> -> memref<1000001x16xf32, #tpu.memory_space<hbm>>
    tpu.enqueue_indirect_dma source(%dma_start3A_131 : memref<1000001x16xf32, #tpu.memory_space<hbm>>) target(%dma_start3A_125 : memref<128x16xf32, #tpu.memory_space<vmem>>) offsets(%dma_start3A_128 : memref<128xi32, #tpu.memory_space<vmem>>) semaphore(%arg15 : memref<!tpu.dma_semaphore, #tpu.memory_space<semaphore_mem>>)
    %dma_start3A_132 = arith.constant 9 : i32
    %dma_start3A_133 = arith.constant 1152 : i32
    %dma_start3A_134 = arith.constant 0 : i32
    %dma_start3A_135 = tpu.memref_slice %arg11[%dma_start3A_133, %dma_start3A_134] : memref<2560x16xf32, #tpu.memory_space<vmem>> -> memref<128x16xf32, #tpu.memory_space<vmem>>
    %dma_start3A_136 = arith.constant 0 : i32
    %dma_start3A_137 = tpu.memref_slice %arg9[%dma_start3A_132, %dma_start3A_136] : memref<20x128xi32, #tpu.memory_space<vmem>> -> memref<1x128xi32, #tpu.memory_space<vmem>>
    %dma_start3A_138 = tpu.memref_squeeze %dma_start3A_137 : memref<1x128xi32, #tpu.memory_space<vmem>> -> memref<128xi32, #tpu.memory_space<vmem>>
    %dma_start3A_139 = arith.constant 0 : i32
    %dma_start3A_140 = arith.constant 0 : i32
    %dma_start3A_141 = tpu.memref_slice %arg5[%dma_start3A_139, %dma_start3A_140] : memref<1000001x16xf32, #tpu.memory_space<hbm>> -> memref<1000001x16xf32, #tpu.memory_space<hbm>>
    tpu.enqueue_indirect_dma source(%dma_start3A_141 : memref<1000001x16xf32, #tpu.memory_space<hbm>>) target(%dma_start3A_135 : memref<128x16xf32, #tpu.memory_space<vmem>>) offsets(%dma_start3A_138 : memref<128xi32, #tpu.memory_space<vmem>>) semaphore(%arg15 : memref<!tpu.dma_semaphore, #tpu.memory_space<semaphore_mem>>)
    %dma_start3A_142 = arith.constant 10 : i32
    %dma_start3A_143 = arith.constant 1280 : i32
    %dma_start3A_144 = arith.constant 0 : i32
    %dma_start3A_145 = tpu.memref_slice %arg11[%dma_start3A_143, %dma_start3A_144] : memref<2560x16xf32, #tpu.memory_space<vmem>> -> memref<128x16xf32, #tpu.memory_space<vmem>>
    %dma_start3A_146 = arith.constant 0 : i32
    %dma_start3A_147 = tpu.memref_slice %arg9[%dma_start3A_142, %dma_start3A_146] : memref<20x128xi32, #tpu.memory_space<vmem>> -> memref<1x128xi32, #tpu.memory_space<vmem>>
    %dma_start3A_148 = tpu.memref_squeeze %dma_start3A_147 : memref<1x128xi32, #tpu.memory_space<vmem>> -> memref<128xi32, #tpu.memory_space<vmem>>
    %dma_start3A_149 = arith.constant 0 : i32
    %dma_start3A_150 = arith.constant 0 : i32
    %dma_start3A_151 = tpu.memref_slice %arg5[%dma_start3A_149, %dma_start3A_150] : memref<1000001x16xf32, #tpu.memory_space<hbm>> -> memref<1000001x16xf32, #tpu.memory_space<hbm>>
    tpu.enqueue_indirect_dma source(%dma_start3A_151 : memref<1000001x16xf32, #tpu.memory_space<hbm>>) target(%dma_start3A_145 : memref<128x16xf32, #tpu.memory_space<vmem>>) offsets(%dma_start3A_148 : memref<128xi32, #tpu.memory_space<vmem>>) semaphore(%arg15 : memref<!tpu.dma_semaphore, #tpu.memory_space<semaphore_mem>>)
    %dma_start3A_152 = arith.constant 11 : i32
    %dma_start3A_153 = arith.constant 1408 : i32
    %dma_start3A_154 = arith.constant 0 : i32
    %dma_start3A_155 = tpu.memref_slice %arg11[%dma_start3A_153, %dma_start3A_154] : memref<2560x16xf32, #tpu.memory_space<vmem>> -> memref<128x16xf32, #tpu.memory_space<vmem>>
    %dma_start3A_156 = arith.constant 0 : i32
    %dma_start3A_157 = tpu.memref_slice %arg9[%dma_start3A_152, %dma_start3A_156] : memref<20x128xi32, #tpu.memory_space<vmem>> -> memref<1x128xi32, #tpu.memory_space<vmem>>
    %dma_start3A_158 = tpu.memref_squeeze %dma_start3A_157 : memref<1x128xi32, #tpu.memory_space<vmem>> -> memref<128xi32, #tpu.memory_space<vmem>>
    %dma_start3A_159 = arith.constant 0 : i32
    %dma_start3A_160 = arith.constant 0 : i32
    %dma_start3A_161 = tpu.memref_slice %arg5[%dma_start3A_159, %dma_start3A_160] : memref<1000001x16xf32, #tpu.memory_space<hbm>> -> memref<1000001x16xf32, #tpu.memory_space<hbm>>
    tpu.enqueue_indirect_dma source(%dma_start3A_161 : memref<1000001x16xf32, #tpu.memory_space<hbm>>) target(%dma_start3A_155 : memref<128x16xf32, #tpu.memory_space<vmem>>) offsets(%dma_start3A_158 : memref<128xi32, #tpu.memory_space<vmem>>) semaphore(%arg15 : memref<!tpu.dma_semaphore, #tpu.memory_space<semaphore_mem>>)
    %dma_start3A_162 = arith.constant 12 : i32
    %dma_start3A_163 = arith.constant 1536 : i32
    %dma_start3A_164 = arith.constant 0 : i32
    %dma_start3A_165 = tpu.memref_slice %arg11[%dma_start3A_163, %dma_start3A_164] : memref<2560x16xf32, #tpu.memory_space<vmem>> -> memref<128x16xf32, #tpu.memory_space<vmem>>
    %dma_start3A_166 = arith.constant 0 : i32
    %dma_start3A_167 = tpu.memref_slice %arg9[%dma_start3A_162, %dma_start3A_166] : memref<20x128xi32, #tpu.memory_space<vmem>> -> memref<1x128xi32, #tpu.memory_space<vmem>>
    %dma_start3A_168 = tpu.memref_squeeze %dma_start3A_167 : memref<1x128xi32, #tpu.memory_space<vmem>> -> memref<128xi32, #tpu.memory_space<vmem>>
    %dma_start3A_169 = arith.constant 0 : i32
    %dma_start3A_170 = arith.constant 0 : i32
    %dma_start3A_171 = tpu.memref_slice %arg5[%dma_start3A_169, %dma_start3A_170] : memref<1000001x16xf32, #tpu.memory_space<hbm>> -> memref<1000001x16xf32, #tpu.memory_space<hbm>>
    tpu.enqueue_indirect_dma source(%dma_start3A_171 : memref<1000001x16xf32, #tpu.memory_space<hbm>>) target(%dma_start3A_165 : memref<128x16xf32, #tpu.memory_space<vmem>>) offsets(%dma_start3A_168 : memref<128xi32, #tpu.memory_space<vmem>>) semaphore(%arg15 : memref<!tpu.dma_semaphore, #tpu.memory_space<semaphore_mem>>)
    %dma_start3A_172 = arith.constant 13 : i32
    %dma_start3A_173 = arith.constant 1664 : i32
    %dma_start3A_174 = arith.constant 0 : i32
    %dma_start3A_175 = tpu.memref_slice %arg11[%dma_start3A_173, %dma_start3A_174] : memref<2560x16xf32, #tpu.memory_space<vmem>> -> memref<128x16xf32, #tpu.memory_space<vmem>>
    %dma_start3A_176 = arith.constant 0 : i32
    %dma_start3A_177 = tpu.memref_slice %arg9[%dma_start3A_172, %dma_start3A_176] : memref<20x128xi32, #tpu.memory_space<vmem>> -> memref<1x128xi32, #tpu.memory_space<vmem>>
    %dma_start3A_178 = tpu.memref_squeeze %dma_start3A_177 : memref<1x128xi32, #tpu.memory_space<vmem>> -> memref<128xi32, #tpu.memory_space<vmem>>
    %dma_start3A_179 = arith.constant 0 : i32
    %dma_start3A_180 = arith.constant 0 : i32
    %dma_start3A_181 = tpu.memref_slice %arg5[%dma_start3A_179, %dma_start3A_180] : memref<1000001x16xf32, #tpu.memory_space<hbm>> -> memref<1000001x16xf32, #tpu.memory_space<hbm>>
    tpu.enqueue_indirect_dma source(%dma_start3A_181 : memref<1000001x16xf32, #tpu.memory_space<hbm>>) target(%dma_start3A_175 : memref<128x16xf32, #tpu.memory_space<vmem>>) offsets(%dma_start3A_178 : memref<128xi32, #tpu.memory_space<vmem>>) semaphore(%arg15 : memref<!tpu.dma_semaphore, #tpu.memory_space<semaphore_mem>>)
    %dma_start3A_182 = arith.constant 14 : i32
    %dma_start3A_183 = arith.constant 1792 : i32
    %dma_start3A_184 = arith.constant 0 : i32
    %dma_start3A_185 = tpu.memref_slice %arg11[%dma_start3A_183, %dma_start3A_184] : memref<2560x16xf32, #tpu.memory_space<vmem>> -> memref<128x16xf32, #tpu.memory_space<vmem>>
    %dma_start3A_186 = arith.constant 0 : i32
    %dma_start3A_187 = tpu.memref_slice %arg9[%dma_start3A_182, %dma_start3A_186] : memref<20x128xi32, #tpu.memory_space<vmem>> -> memref<1x128xi32, #tpu.memory_space<vmem>>
    %dma_start3A_188 = tpu.memref_squeeze %dma_start3A_187 : memref<1x128xi32, #tpu.memory_space<vmem>> -> memref<128xi32, #tpu.memory_space<vmem>>
    %dma_start3A_189 = arith.constant 0 : i32
    %dma_start3A_190 = arith.constant 0 : i32
    %dma_start3A_191 = tpu.memref_slice %arg5[%dma_start3A_189, %dma_start3A_190] : memref<1000001x16xf32, #tpu.memory_space<hbm>> -> memref<1000001x16xf32, #tpu.memory_space<hbm>>
    tpu.enqueue_indirect_dma source(%dma_start3A_191 : memref<1000001x16xf32, #tpu.memory_space<hbm>>) target(%dma_start3A_185 : memref<128x16xf32, #tpu.memory_space<vmem>>) offsets(%dma_start3A_188 : memref<128xi32, #tpu.memory_space<vmem>>) semaphore(%arg15 : memref<!tpu.dma_semaphore, #tpu.memory_space<semaphore_mem>>)
    %dma_start3A_192 = arith.constant 15 : i32
    %dma_start3A_193 = arith.constant 1920 : i32
    %dma_start3A_194 = arith.constant 0 : i32
    %dma_start3A_195 = tpu.memref_slice %arg11[%dma_start3A_193, %dma_start3A_194] : memref<2560x16xf32, #tpu.memory_space<vmem>> -> memref<128x16xf32, #tpu.memory_space<vmem>>
    %dma_start3A_196 = arith.constant 0 : i32
    %dma_start3A_197 = tpu.memref_slice %arg9[%dma_start3A_192, %dma_start3A_196] : memref<20x128xi32, #tpu.memory_space<vmem>> -> memref<1x128xi32, #tpu.memory_space<vmem>>
    %dma_start3A_198 = tpu.memref_squeeze %dma_start3A_197 : memref<1x128xi32, #tpu.memory_space<vmem>> -> memref<128xi32, #tpu.memory_space<vmem>>
    %dma_start3A_199 = arith.constant 0 : i32
    %dma_start3A_200 = arith.constant 0 : i32
    %dma_start3A_201 = tpu.memref_slice %arg5[%dma_start3A_199, %dma_start3A_200] : memref<1000001x16xf32, #tpu.memory_space<hbm>> -> memref<1000001x16xf32, #tpu.memory_space<hbm>>
    tpu.enqueue_indirect_dma source(%dma_start3A_201 : memref<1000001x16xf32, #tpu.memory_space<hbm>>) target(%dma_start3A_195 : memref<128x16xf32, #tpu.memory_space<vmem>>) offsets(%dma_start3A_198 : memref<128xi32, #tpu.memory_space<vmem>>) semaphore(%arg15 : memref<!tpu.dma_semaphore, #tpu.memory_space<semaphore_mem>>)
    %dma_start3A_202 = arith.constant 16 : i32
    %dma_start3A_203 = arith.constant 2048 : i32
    %dma_start3A_204 = arith.constant 0 : i32
    %dma_start3A_205 = tpu.memref_slice %arg11[%dma_start3A_203, %dma_start3A_204] : memref<2560x16xf32, #tpu.memory_space<vmem>> -> memref<128x16xf32, #tpu.memory_space<vmem>>
    %dma_start3A_206 = arith.constant 0 : i32
    %dma_start3A_207 = tpu.memref_slice %arg9[%dma_start3A_202, %dma_start3A_206] : memref<20x128xi32, #tpu.memory_space<vmem>> -> memref<1x128xi32, #tpu.memory_space<vmem>>
    %dma_start3A_208 = tpu.memref_squeeze %dma_start3A_207 : memref<1x128xi32, #tpu.memory_space<vmem>> -> memref<128xi32, #tpu.memory_space<vmem>>
    %dma_start3A_209 = arith.constant 0 : i32
    %dma_start3A_210 = arith.constant 0 : i32
    %dma_start3A_211 = tpu.memref_slice %arg5[%dma_start3A_209, %dma_start3A_210] : memref<1000001x16xf32, #tpu.memory_space<hbm>> -> memref<1000001x16xf32, #tpu.memory_space<hbm>>
    tpu.enqueue_indirect_dma source(%dma_start3A_211 : memref<1000001x16xf32, #tpu.memory_space<hbm>>) target(%dma_start3A_205 : memref<128x16xf32, #tpu.memory_space<vmem>>) offsets(%dma_start3A_208 : memref<128xi32, #tpu.memory_space<vmem>>) semaphore(%arg15 : memref<!tpu.dma_semaphore, #tpu.memory_space<semaphore_mem>>)
    %dma_start3A_212 = arith.constant 17 : i32
    %dma_start3A_213 = arith.constant 2176 : i32
    %dma_start3A_214 = arith.constant 0 : i32
    %dma_start3A_215 = tpu.memref_slice %arg11[%dma_start3A_213, %dma_start3A_214] : memref<2560x16xf32, #tpu.memory_space<vmem>> -> memref<128x16xf32, #tpu.memory_space<vmem>>
    %dma_start3A_216 = arith.constant 0 : i32
    %dma_start3A_217 = tpu.memref_slice %arg9[%dma_start3A_212, %dma_start3A_216] : memref<20x128xi32, #tpu.memory_space<vmem>> -> memref<1x128xi32, #tpu.memory_space<vmem>>
    %dma_start3A_218 = tpu.memref_squeeze %dma_start3A_217 : memref<1x128xi32, #tpu.memory_space<vmem>> -> memref<128xi32, #tpu.memory_space<vmem>>
    %dma_start3A_219 = arith.constant 0 : i32
    %dma_start3A_220 = arith.constant 0 : i32
    %dma_start3A_221 = tpu.memref_slice %arg5[%dma_start3A_219, %dma_start3A_220] : memref<1000001x16xf32, #tpu.memory_space<hbm>> -> memref<1000001x16xf32, #tpu.memory_space<hbm>>
    tpu.enqueue_indirect_dma source(%dma_start3A_221 : memref<1000001x16xf32, #tpu.memory_space<hbm>>) target(%dma_start3A_215 : memref<128x16xf32, #tpu.memory_space<vmem>>) offsets(%dma_start3A_218 : memref<128xi32, #tpu.memory_space<vmem>>) semaphore(%arg15 : memref<!tpu.dma_semaphore, #tpu.memory_space<semaphore_mem>>)
    %dma_start3A_222 = arith.constant 18 : i32
    %dma_start3A_223 = arith.constant 2304 : i32
    %dma_start3A_224 = arith.constant 0 : i32
    %dma_start3A_225 = tpu.memref_slice %arg11[%dma_start3A_223, %dma_start3A_224] : memref<2560x16xf32, #tpu.memory_space<vmem>> -> memref<128x16xf32, #tpu.memory_space<vmem>>
    %dma_start3A_226 = arith.constant 0 : i32
    %dma_start3A_227 = tpu.memref_slice %arg9[%dma_start3A_222, %dma_start3A_226] : memref<20x128xi32, #tpu.memory_space<vmem>> -> memref<1x128xi32, #tpu.memory_space<vmem>>
    %dma_start3A_228 = tpu.memref_squeeze %dma_start3A_227 : memref<1x128xi32, #tpu.memory_space<vmem>> -> memref<128xi32, #tpu.memory_space<vmem>>
    %dma_start3A_229 = arith.constant 0 : i32
    %dma_start3A_230 = arith.constant 0 : i32
    %dma_start3A_231 = tpu.memref_slice %arg5[%dma_start3A_229, %dma_start3A_230] : memref<1000001x16xf32, #tpu.memory_space<hbm>> -> memref<1000001x16xf32, #tpu.memory_space<hbm>>
    tpu.enqueue_indirect_dma source(%dma_start3A_231 : memref<1000001x16xf32, #tpu.memory_space<hbm>>) target(%dma_start3A_225 : memref<128x16xf32, #tpu.memory_space<vmem>>) offsets(%dma_start3A_228 : memref<128xi32, #tpu.memory_space<vmem>>) semaphore(%arg15 : memref<!tpu.dma_semaphore, #tpu.memory_space<semaphore_mem>>)
    %dma_start3A_232 = arith.constant 19 : i32
    %dma_start3A_233 = arith.constant 2432 : i32
    %dma_start3A_234 = arith.constant 0 : i32
    %dma_start3A_235 = tpu.memref_slice %arg11[%dma_start3A_233, %dma_start3A_234] : memref<2560x16xf32, #tpu.memory_space<vmem>> -> memref<128x16xf32, #tpu.memory_space<vmem>>
    %dma_start3A_236 = arith.constant 0 : i32
    %dma_start3A_237 = tpu.memref_slice %arg9[%dma_start3A_232, %dma_start3A_236] : memref<20x128xi32, #tpu.memory_space<vmem>> -> memref<1x128xi32, #tpu.memory_space<vmem>>
    %dma_start3A_238 = tpu.memref_squeeze %dma_start3A_237 : memref<1x128xi32, #tpu.memory_space<vmem>> -> memref<128xi32, #tpu.memory_space<vmem>>
    %dma_start3A_239 = arith.constant 0 : i32
    %dma_start3A_240 = arith.constant 0 : i32
    %dma_start3A_241 = tpu.memref_slice %arg5[%dma_start3A_239, %dma_start3A_240] : memref<1000001x16xf32, #tpu.memory_space<hbm>> -> memref<1000001x16xf32, #tpu.memory_space<hbm>>
    tpu.enqueue_indirect_dma source(%dma_start3A_241 : memref<1000001x16xf32, #tpu.memory_space<hbm>>) target(%dma_start3A_235 : memref<128x16xf32, #tpu.memory_space<vmem>>) offsets(%dma_start3A_238 : memref<128xi32, #tpu.memory_space<vmem>>) semaphore(%arg15 : memref<!tpu.dma_semaphore, #tpu.memory_space<semaphore_mem>>)
    %dma_wait3A = arith.constant 0 : i32
    %dma_wait3A_242 = arith.constant 0 : i32
    %dma_wait3A_243 = arith.constant 0 : i32
    %dma_wait3A_244 = tpu.memref_slice %arg10[%dma_wait3A_242, %dma_wait3A_243] : memref<512x16xf32, #tpu.memory_space<vmem>> -> memref<128x16xf32, #tpu.memory_space<vmem>>
    %dma_wait3A_245 = arith.constant 0 : i32
    %dma_wait3A_246 = tpu.memref_slice %arg8[%dma_wait3A, %dma_wait3A_245] : memref<4x128xi32, #tpu.memory_space<vmem>> -> memref<1x128xi32, #tpu.memory_space<vmem>>
    %dma_wait3A_247 = tpu.memref_squeeze %dma_wait3A_246 : memref<1x128xi32, #tpu.memory_space<vmem>> -> memref<128xi32, #tpu.memory_space<vmem>>
    %dma_wait3A_248 = arith.constant 0 : i32
    %dma_wait3A_249 = arith.constant 0 : i32
    %dma_wait3A_250 = tpu.memref_slice %arg4[%dma_wait3A_248, %dma_wait3A_249] : memref<1000000x16xf32, #tpu.memory_space<hbm>> -> memref<1000000x16xf32, #tpu.memory_space<hbm>>
    tpu.wait_indirect_dma semaphore(%arg14 : memref<!tpu.dma_semaphore, #tpu.memory_space<semaphore_mem>>) src(%dma_wait3A_250 : memref<1000000x16xf32, #tpu.memory_space<hbm>>) dst(%dma_wait3A_244 : memref<128x16xf32, #tpu.memory_space<vmem>>)
    %dma_wait3A_251 = arith.constant 1 : i32
    %dma_wait3A_252 = arith.constant 128 : i32
    %dma_wait3A_253 = arith.constant 0 : i32
    %dma_wait3A_254 = tpu.memref_slice %arg10[%dma_wait3A_252, %dma_wait3A_253] : memref<512x16xf32, #tpu.memory_space<vmem>> -> memref<128x16xf32, #tpu.memory_space<vmem>>
    %dma_wait3A_255 = arith.constant 0 : i32
    %dma_wait3A_256 = tpu.memref_slice %arg8[%dma_wait3A_251, %dma_wait3A_255] : memref<4x128xi32, #tpu.memory_space<vmem>> -> memref<1x128xi32, #tpu.memory_space<vmem>>
    %dma_wait3A_257 = tpu.memref_squeeze %dma_wait3A_256 : memref<1x128xi32, #tpu.memory_space<vmem>> -> memref<128xi32, #tpu.memory_space<vmem>>
    %dma_wait3A_258 = arith.constant 0 : i32
    %dma_wait3A_259 = arith.constant 0 : i32
    %dma_wait3A_260 = tpu.memref_slice %arg4[%dma_wait3A_258, %dma_wait3A_259] : memref<1000000x16xf32, #tpu.memory_space<hbm>> -> memref<1000000x16xf32, #tpu.memory_space<hbm>>
    tpu.wait_indirect_dma semaphore(%arg14 : memref<!tpu.dma_semaphore, #tpu.memory_space<semaphore_mem>>) src(%dma_wait3A_260 : memref<1000000x16xf32, #tpu.memory_space<hbm>>) dst(%dma_wait3A_254 : memref<128x16xf32, #tpu.memory_space<vmem>>)
    %dma_wait3A_261 = arith.constant 2 : i32
    %dma_wait3A_262 = arith.constant 256 : i32
    %dma_wait3A_263 = arith.constant 0 : i32
    %dma_wait3A_264 = tpu.memref_slice %arg10[%dma_wait3A_262, %dma_wait3A_263] : memref<512x16xf32, #tpu.memory_space<vmem>> -> memref<128x16xf32, #tpu.memory_space<vmem>>
    %dma_wait3A_265 = arith.constant 0 : i32
    %dma_wait3A_266 = tpu.memref_slice %arg8[%dma_wait3A_261, %dma_wait3A_265] : memref<4x128xi32, #tpu.memory_space<vmem>> -> memref<1x128xi32, #tpu.memory_space<vmem>>
    %dma_wait3A_267 = tpu.memref_squeeze %dma_wait3A_266 : memref<1x128xi32, #tpu.memory_space<vmem>> -> memref<128xi32, #tpu.memory_space<vmem>>
    %dma_wait3A_268 = arith.constant 0 : i32
    %dma_wait3A_269 = arith.constant 0 : i32
    %dma_wait3A_270 = tpu.memref_slice %arg4[%dma_wait3A_268, %dma_wait3A_269] : memref<1000000x16xf32, #tpu.memory_space<hbm>> -> memref<1000000x16xf32, #tpu.memory_space<hbm>>
    tpu.wait_indirect_dma semaphore(%arg14 : memref<!tpu.dma_semaphore, #tpu.memory_space<semaphore_mem>>) src(%dma_wait3A_270 : memref<1000000x16xf32, #tpu.memory_space<hbm>>) dst(%dma_wait3A_264 : memref<128x16xf32, #tpu.memory_space<vmem>>)
    %dma_wait3A_271 = arith.constant 3 : i32
    %dma_wait3A_272 = arith.constant 384 : i32
    %dma_wait3A_273 = arith.constant 0 : i32
    %dma_wait3A_274 = tpu.memref_slice %arg10[%dma_wait3A_272, %dma_wait3A_273] : memref<512x16xf32, #tpu.memory_space<vmem>> -> memref<128x16xf32, #tpu.memory_space<vmem>>
    %dma_wait3A_275 = arith.constant 0 : i32
    %dma_wait3A_276 = tpu.memref_slice %arg8[%dma_wait3A_271, %dma_wait3A_275] : memref<4x128xi32, #tpu.memory_space<vmem>> -> memref<1x128xi32, #tpu.memory_space<vmem>>
    %dma_wait3A_277 = tpu.memref_squeeze %dma_wait3A_276 : memref<1x128xi32, #tpu.memory_space<vmem>> -> memref<128xi32, #tpu.memory_space<vmem>>
    %dma_wait3A_278 = arith.constant 0 : i32
    %dma_wait3A_279 = arith.constant 0 : i32
    %dma_wait3A_280 = tpu.memref_slice %arg4[%dma_wait3A_278, %dma_wait3A_279] : memref<1000000x16xf32, #tpu.memory_space<hbm>> -> memref<1000000x16xf32, #tpu.memory_space<hbm>>
    tpu.wait_indirect_dma semaphore(%arg14 : memref<!tpu.dma_semaphore, #tpu.memory_space<semaphore_mem>>) src(%dma_wait3A_280 : memref<1000000x16xf32, #tpu.memory_space<hbm>>) dst(%dma_wait3A_274 : memref<128x16xf32, #tpu.memory_space<vmem>>)
    %dma_wait3A_281 = arith.constant 0 : i32
    %dma_wait3A_282 = arith.constant 0 : i32
    %dma_wait3A_283 = arith.constant 0 : i32
    %dma_wait3A_284 = tpu.memref_slice %arg11[%dma_wait3A_282, %dma_wait3A_283] : memref<2560x16xf32, #tpu.memory_space<vmem>> -> memref<128x16xf32, #tpu.memory_space<vmem>>
    %dma_wait3A_285 = arith.constant 0 : i32
    %dma_wait3A_286 = tpu.memref_slice %arg9[%dma_wait3A_281, %dma_wait3A_285] : memref<20x128xi32, #tpu.memory_space<vmem>> -> memref<1x128xi32, #tpu.memory_space<vmem>>
    %dma_wait3A_287 = tpu.memref_squeeze %dma_wait3A_286 : memref<1x128xi32, #tpu.memory_space<vmem>> -> memref<128xi32, #tpu.memory_space<vmem>>
    %dma_wait3A_288 = arith.constant 0 : i32
    %dma_wait3A_289 = arith.constant 0 : i32
    %dma_wait3A_290 = tpu.memref_slice %arg5[%dma_wait3A_288, %dma_wait3A_289] : memref<1000001x16xf32, #tpu.memory_space<hbm>> -> memref<1000001x16xf32, #tpu.memory_space<hbm>>
    tpu.wait_indirect_dma semaphore(%arg15 : memref<!tpu.dma_semaphore, #tpu.memory_space<semaphore_mem>>) src(%dma_wait3A_290 : memref<1000001x16xf32, #tpu.memory_space<hbm>>) dst(%dma_wait3A_284 : memref<128x16xf32, #tpu.memory_space<vmem>>)
    %dma_wait3A_291 = arith.constant 1 : i32
    %dma_wait3A_292 = arith.constant 128 : i32
    %dma_wait3A_293 = arith.constant 0 : i32
    %dma_wait3A_294 = tpu.memref_slice %arg11[%dma_wait3A_292, %dma_wait3A_293] : memref<2560x16xf32, #tpu.memory_space<vmem>> -> memref<128x16xf32, #tpu.memory_space<vmem>>
    %dma_wait3A_295 = arith.constant 0 : i32
    %dma_wait3A_296 = tpu.memref_slice %arg9[%dma_wait3A_291, %dma_wait3A_295] : memref<20x128xi32, #tpu.memory_space<vmem>> -> memref<1x128xi32, #tpu.memory_space<vmem>>
    %dma_wait3A_297 = tpu.memref_squeeze %dma_wait3A_296 : memref<1x128xi32, #tpu.memory_space<vmem>> -> memref<128xi32, #tpu.memory_space<vmem>>
    %dma_wait3A_298 = arith.constant 0 : i32
    %dma_wait3A_299 = arith.constant 0 : i32
    %dma_wait3A_300 = tpu.memref_slice %arg5[%dma_wait3A_298, %dma_wait3A_299] : memref<1000001x16xf32, #tpu.memory_space<hbm>> -> memref<1000001x16xf32, #tpu.memory_space<hbm>>
    tpu.wait_indirect_dma semaphore(%arg15 : memref<!tpu.dma_semaphore, #tpu.memory_space<semaphore_mem>>) src(%dma_wait3A_300 : memref<1000001x16xf32, #tpu.memory_space<hbm>>) dst(%dma_wait3A_294 : memref<128x16xf32, #tpu.memory_space<vmem>>)
    %dma_wait3A_301 = arith.constant 2 : i32
    %dma_wait3A_302 = arith.constant 256 : i32
    %dma_wait3A_303 = arith.constant 0 : i32
    %dma_wait3A_304 = tpu.memref_slice %arg11[%dma_wait3A_302, %dma_wait3A_303] : memref<2560x16xf32, #tpu.memory_space<vmem>> -> memref<128x16xf32, #tpu.memory_space<vmem>>
    %dma_wait3A_305 = arith.constant 0 : i32
    %dma_wait3A_306 = tpu.memref_slice %arg9[%dma_wait3A_301, %dma_wait3A_305] : memref<20x128xi32, #tpu.memory_space<vmem>> -> memref<1x128xi32, #tpu.memory_space<vmem>>
    %dma_wait3A_307 = tpu.memref_squeeze %dma_wait3A_306 : memref<1x128xi32, #tpu.memory_space<vmem>> -> memref<128xi32, #tpu.memory_space<vmem>>
    %dma_wait3A_308 = arith.constant 0 : i32
    %dma_wait3A_309 = arith.constant 0 : i32
    %dma_wait3A_310 = tpu.memref_slice %arg5[%dma_wait3A_308, %dma_wait3A_309] : memref<1000001x16xf32, #tpu.memory_space<hbm>> -> memref<1000001x16xf32, #tpu.memory_space<hbm>>
    tpu.wait_indirect_dma semaphore(%arg15 : memref<!tpu.dma_semaphore, #tpu.memory_space<semaphore_mem>>) src(%dma_wait3A_310 : memref<1000001x16xf32, #tpu.memory_space<hbm>>) dst(%dma_wait3A_304 : memref<128x16xf32, #tpu.memory_space<vmem>>)
    %dma_wait3A_311 = arith.constant 3 : i32
    %dma_wait3A_312 = arith.constant 384 : i32
    %dma_wait3A_313 = arith.constant 0 : i32
    %dma_wait3A_314 = tpu.memref_slice %arg11[%dma_wait3A_312, %dma_wait3A_313] : memref<2560x16xf32, #tpu.memory_space<vmem>> -> memref<128x16xf32, #tpu.memory_space<vmem>>
    %dma_wait3A_315 = arith.constant 0 : i32
    %dma_wait3A_316 = tpu.memref_slice %arg9[%dma_wait3A_311, %dma_wait3A_315] : memref<20x128xi32, #tpu.memory_space<vmem>> -> memref<1x128xi32, #tpu.memory_space<vmem>>
    %dma_wait3A_317 = tpu.memref_squeeze %dma_wait3A_316 : memref<1x128xi32, #tpu.memory_space<vmem>> -> memref<128xi32, #tpu.memory_space<vmem>>
    %dma_wait3A_318 = arith.constant 0 : i32
    %dma_wait3A_319 = arith.constant 0 : i32
    %dma_wait3A_320 = tpu.memref_slice %arg5[%dma_wait3A_318, %dma_wait3A_319] : memref<1000001x16xf32, #tpu.memory_space<hbm>> -> memref<1000001x16xf32, #tpu.memory_space<hbm>>
    tpu.wait_indirect_dma semaphore(%arg15 : memref<!tpu.dma_semaphore, #tpu.memory_space<semaphore_mem>>) src(%dma_wait3A_320 : memref<1000001x16xf32, #tpu.memory_space<hbm>>) dst(%dma_wait3A_314 : memref<128x16xf32, #tpu.memory_space<vmem>>)
    %dma_wait3A_321 = arith.constant 4 : i32
    %dma_wait3A_322 = arith.constant 512 : i32
    %dma_wait3A_323 = arith.constant 0 : i32
    %dma_wait3A_324 = tpu.memref_slice %arg11[%dma_wait3A_322, %dma_wait3A_323] : memref<2560x16xf32, #tpu.memory_space<vmem>> -> memref<128x16xf32, #tpu.memory_space<vmem>>
    %dma_wait3A_325 = arith.constant 0 : i32
    %dma_wait3A_326 = tpu.memref_slice %arg9[%dma_wait3A_321, %dma_wait3A_325] : memref<20x128xi32, #tpu.memory_space<vmem>> -> memref<1x128xi32, #tpu.memory_space<vmem>>
    %dma_wait3A_327 = tpu.memref_squeeze %dma_wait3A_326 : memref<1x128xi32, #tpu.memory_space<vmem>> -> memref<128xi32, #tpu.memory_space<vmem>>
    %dma_wait3A_328 = arith.constant 0 : i32
    %dma_wait3A_329 = arith.constant 0 : i32
    %dma_wait3A_330 = tpu.memref_slice %arg5[%dma_wait3A_328, %dma_wait3A_329] : memref<1000001x16xf32, #tpu.memory_space<hbm>> -> memref<1000001x16xf32, #tpu.memory_space<hbm>>
    tpu.wait_indirect_dma semaphore(%arg15 : memref<!tpu.dma_semaphore, #tpu.memory_space<semaphore_mem>>) src(%dma_wait3A_330 : memref<1000001x16xf32, #tpu.memory_space<hbm>>) dst(%dma_wait3A_324 : memref<128x16xf32, #tpu.memory_space<vmem>>)
    %dma_wait3A_331 = arith.constant 5 : i32
    %dma_wait3A_332 = arith.constant 640 : i32
    %dma_wait3A_333 = arith.constant 0 : i32
    %dma_wait3A_334 = tpu.memref_slice %arg11[%dma_wait3A_332, %dma_wait3A_333] : memref<2560x16xf32, #tpu.memory_space<vmem>> -> memref<128x16xf32, #tpu.memory_space<vmem>>
    %dma_wait3A_335 = arith.constant 0 : i32
    %dma_wait3A_336 = tpu.memref_slice %arg9[%dma_wait3A_331, %dma_wait3A_335] : memref<20x128xi32, #tpu.memory_space<vmem>> -> memref<1x128xi32, #tpu.memory_space<vmem>>
    %dma_wait3A_337 = tpu.memref_squeeze %dma_wait3A_336 : memref<1x128xi32, #tpu.memory_space<vmem>> -> memref<128xi32, #tpu.memory_space<vmem>>
    %dma_wait3A_338 = arith.constant 0 : i32
    %dma_wait3A_339 = arith.constant 0 : i32
    %dma_wait3A_340 = tpu.memref_slice %arg5[%dma_wait3A_338, %dma_wait3A_339] : memref<1000001x16xf32, #tpu.memory_space<hbm>> -> memref<1000001x16xf32, #tpu.memory_space<hbm>>
    tpu.wait_indirect_dma semaphore(%arg15 : memref<!tpu.dma_semaphore, #tpu.memory_space<semaphore_mem>>) src(%dma_wait3A_340 : memref<1000001x16xf32, #tpu.memory_space<hbm>>) dst(%dma_wait3A_334 : memref<128x16xf32, #tpu.memory_space<vmem>>)
    %dma_wait3A_341 = arith.constant 6 : i32
    %dma_wait3A_342 = arith.constant 768 : i32
    %dma_wait3A_343 = arith.constant 0 : i32
    %dma_wait3A_344 = tpu.memref_slice %arg11[%dma_wait3A_342, %dma_wait3A_343] : memref<2560x16xf32, #tpu.memory_space<vmem>> -> memref<128x16xf32, #tpu.memory_space<vmem>>
    %dma_wait3A_345 = arith.constant 0 : i32
    %dma_wait3A_346 = tpu.memref_slice %arg9[%dma_wait3A_341, %dma_wait3A_345] : memref<20x128xi32, #tpu.memory_space<vmem>> -> memref<1x128xi32, #tpu.memory_space<vmem>>
    %dma_wait3A_347 = tpu.memref_squeeze %dma_wait3A_346 : memref<1x128xi32, #tpu.memory_space<vmem>> -> memref<128xi32, #tpu.memory_space<vmem>>
    %dma_wait3A_348 = arith.constant 0 : i32
    %dma_wait3A_349 = arith.constant 0 : i32
    %dma_wait3A_350 = tpu.memref_slice %arg5[%dma_wait3A_348, %dma_wait3A_349] : memref<1000001x16xf32, #tpu.memory_space<hbm>> -> memref<1000001x16xf32, #tpu.memory_space<hbm>>
    tpu.wait_indirect_dma semaphore(%arg15 : memref<!tpu.dma_semaphore, #tpu.memory_space<semaphore_mem>>) src(%dma_wait3A_350 : memref<1000001x16xf32, #tpu.memory_space<hbm>>) dst(%dma_wait3A_344 : memref<128x16xf32, #tpu.memory_space<vmem>>)
    %dma_wait3A_351 = arith.constant 7 : i32
    %dma_wait3A_352 = arith.constant 896 : i32
    %dma_wait3A_353 = arith.constant 0 : i32
    %dma_wait3A_354 = tpu.memref_slice %arg11[%dma_wait3A_352, %dma_wait3A_353] : memref<2560x16xf32, #tpu.memory_space<vmem>> -> memref<128x16xf32, #tpu.memory_space<vmem>>
    %dma_wait3A_355 = arith.constant 0 : i32
    %dma_wait3A_356 = tpu.memref_slice %arg9[%dma_wait3A_351, %dma_wait3A_355] : memref<20x128xi32, #tpu.memory_space<vmem>> -> memref<1x128xi32, #tpu.memory_space<vmem>>
    %dma_wait3A_357 = tpu.memref_squeeze %dma_wait3A_356 : memref<1x128xi32, #tpu.memory_space<vmem>> -> memref<128xi32, #tpu.memory_space<vmem>>
    %dma_wait3A_358 = arith.constant 0 : i32
    %dma_wait3A_359 = arith.constant 0 : i32
    %dma_wait3A_360 = tpu.memref_slice %arg5[%dma_wait3A_358, %dma_wait3A_359] : memref<1000001x16xf32, #tpu.memory_space<hbm>> -> memref<1000001x16xf32, #tpu.memory_space<hbm>>
    tpu.wait_indirect_dma semaphore(%arg15 : memref<!tpu.dma_semaphore, #tpu.memory_space<semaphore_mem>>) src(%dma_wait3A_360 : memref<1000001x16xf32, #tpu.memory_space<hbm>>) dst(%dma_wait3A_354 : memref<128x16xf32, #tpu.memory_space<vmem>>)
    %dma_wait3A_361 = arith.constant 8 : i32
    %dma_wait3A_362 = arith.constant 1024 : i32
    %dma_wait3A_363 = arith.constant 0 : i32
    %dma_wait3A_364 = tpu.memref_slice %arg11[%dma_wait3A_362, %dma_wait3A_363] : memref<2560x16xf32, #tpu.memory_space<vmem>> -> memref<128x16xf32, #tpu.memory_space<vmem>>
    %dma_wait3A_365 = arith.constant 0 : i32
    %dma_wait3A_366 = tpu.memref_slice %arg9[%dma_wait3A_361, %dma_wait3A_365] : memref<20x128xi32, #tpu.memory_space<vmem>> -> memref<1x128xi32, #tpu.memory_space<vmem>>
    %dma_wait3A_367 = tpu.memref_squeeze %dma_wait3A_366 : memref<1x128xi32, #tpu.memory_space<vmem>> -> memref<128xi32, #tpu.memory_space<vmem>>
    %dma_wait3A_368 = arith.constant 0 : i32
    %dma_wait3A_369 = arith.constant 0 : i32
    %dma_wait3A_370 = tpu.memref_slice %arg5[%dma_wait3A_368, %dma_wait3A_369] : memref<1000001x16xf32, #tpu.memory_space<hbm>> -> memref<1000001x16xf32, #tpu.memory_space<hbm>>
    tpu.wait_indirect_dma semaphore(%arg15 : memref<!tpu.dma_semaphore, #tpu.memory_space<semaphore_mem>>) src(%dma_wait3A_370 : memref<1000001x16xf32, #tpu.memory_space<hbm>>) dst(%dma_wait3A_364 : memref<128x16xf32, #tpu.memory_space<vmem>>)
    %dma_wait3A_371 = arith.constant 9 : i32
    %dma_wait3A_372 = arith.constant 1152 : i32
    %dma_wait3A_373 = arith.constant 0 : i32
    %dma_wait3A_374 = tpu.memref_slice %arg11[%dma_wait3A_372, %dma_wait3A_373] : memref<2560x16xf32, #tpu.memory_space<vmem>> -> memref<128x16xf32, #tpu.memory_space<vmem>>
    %dma_wait3A_375 = arith.constant 0 : i32
    %dma_wait3A_376 = tpu.memref_slice %arg9[%dma_wait3A_371, %dma_wait3A_375] : memref<20x128xi32, #tpu.memory_space<vmem>> -> memref<1x128xi32, #tpu.memory_space<vmem>>
    %dma_wait3A_377 = tpu.memref_squeeze %dma_wait3A_376 : memref<1x128xi32, #tpu.memory_space<vmem>> -> memref<128xi32, #tpu.memory_space<vmem>>
    %dma_wait3A_378 = arith.constant 0 : i32
    %dma_wait3A_379 = arith.constant 0 : i32
    %dma_wait3A_380 = tpu.memref_slice %arg5[%dma_wait3A_378, %dma_wait3A_379] : memref<1000001x16xf32, #tpu.memory_space<hbm>> -> memref<1000001x16xf32, #tpu.memory_space<hbm>>
    tpu.wait_indirect_dma semaphore(%arg15 : memref<!tpu.dma_semaphore, #tpu.memory_space<semaphore_mem>>) src(%dma_wait3A_380 : memref<1000001x16xf32, #tpu.memory_space<hbm>>) dst(%dma_wait3A_374 : memref<128x16xf32, #tpu.memory_space<vmem>>)
    %dma_wait3A_381 = arith.constant 10 : i32
    %dma_wait3A_382 = arith.constant 1280 : i32
    %dma_wait3A_383 = arith.constant 0 : i32
    %dma_wait3A_384 = tpu.memref_slice %arg11[%dma_wait3A_382, %dma_wait3A_383] : memref<2560x16xf32, #tpu.memory_space<vmem>> -> memref<128x16xf32, #tpu.memory_space<vmem>>
    %dma_wait3A_385 = arith.constant 0 : i32
    %dma_wait3A_386 = tpu.memref_slice %arg9[%dma_wait3A_381, %dma_wait3A_385] : memref<20x128xi32, #tpu.memory_space<vmem>> -> memref<1x128xi32, #tpu.memory_space<vmem>>
    %dma_wait3A_387 = tpu.memref_squeeze %dma_wait3A_386 : memref<1x128xi32, #tpu.memory_space<vmem>> -> memref<128xi32, #tpu.memory_space<vmem>>
    %dma_wait3A_388 = arith.constant 0 : i32
    %dma_wait3A_389 = arith.constant 0 : i32
    %dma_wait3A_390 = tpu.memref_slice %arg5[%dma_wait3A_388, %dma_wait3A_389] : memref<1000001x16xf32, #tpu.memory_space<hbm>> -> memref<1000001x16xf32, #tpu.memory_space<hbm>>
    tpu.wait_indirect_dma semaphore(%arg15 : memref<!tpu.dma_semaphore, #tpu.memory_space<semaphore_mem>>) src(%dma_wait3A_390 : memref<1000001x16xf32, #tpu.memory_space<hbm>>) dst(%dma_wait3A_384 : memref<128x16xf32, #tpu.memory_space<vmem>>)
    %dma_wait3A_391 = arith.constant 11 : i32
    %dma_wait3A_392 = arith.constant 1408 : i32
    %dma_wait3A_393 = arith.constant 0 : i32
    %dma_wait3A_394 = tpu.memref_slice %arg11[%dma_wait3A_392, %dma_wait3A_393] : memref<2560x16xf32, #tpu.memory_space<vmem>> -> memref<128x16xf32, #tpu.memory_space<vmem>>
    %dma_wait3A_395 = arith.constant 0 : i32
    %dma_wait3A_396 = tpu.memref_slice %arg9[%dma_wait3A_391, %dma_wait3A_395] : memref<20x128xi32, #tpu.memory_space<vmem>> -> memref<1x128xi32, #tpu.memory_space<vmem>>
    %dma_wait3A_397 = tpu.memref_squeeze %dma_wait3A_396 : memref<1x128xi32, #tpu.memory_space<vmem>> -> memref<128xi32, #tpu.memory_space<vmem>>
    %dma_wait3A_398 = arith.constant 0 : i32
    %dma_wait3A_399 = arith.constant 0 : i32
    %dma_wait3A_400 = tpu.memref_slice %arg5[%dma_wait3A_398, %dma_wait3A_399] : memref<1000001x16xf32, #tpu.memory_space<hbm>> -> memref<1000001x16xf32, #tpu.memory_space<hbm>>
    tpu.wait_indirect_dma semaphore(%arg15 : memref<!tpu.dma_semaphore, #tpu.memory_space<semaphore_mem>>) src(%dma_wait3A_400 : memref<1000001x16xf32, #tpu.memory_space<hbm>>) dst(%dma_wait3A_394 : memref<128x16xf32, #tpu.memory_space<vmem>>)
    %dma_wait3A_401 = arith.constant 12 : i32
    %dma_wait3A_402 = arith.constant 1536 : i32
    %dma_wait3A_403 = arith.constant 0 : i32
    %dma_wait3A_404 = tpu.memref_slice %arg11[%dma_wait3A_402, %dma_wait3A_403] : memref<2560x16xf32, #tpu.memory_space<vmem>> -> memref<128x16xf32, #tpu.memory_space<vmem>>
    %dma_wait3A_405 = arith.constant 0 : i32
    %dma_wait3A_406 = tpu.memref_slice %arg9[%dma_wait3A_401, %dma_wait3A_405] : memref<20x128xi32, #tpu.memory_space<vmem>> -> memref<1x128xi32, #tpu.memory_space<vmem>>
    %dma_wait3A_407 = tpu.memref_squeeze %dma_wait3A_406 : memref<1x128xi32, #tpu.memory_space<vmem>> -> memref<128xi32, #tpu.memory_space<vmem>>
    %dma_wait3A_408 = arith.constant 0 : i32
    %dma_wait3A_409 = arith.constant 0 : i32
    %dma_wait3A_410 = tpu.memref_slice %arg5[%dma_wait3A_408, %dma_wait3A_409] : memref<1000001x16xf32, #tpu.memory_space<hbm>> -> memref<1000001x16xf32, #tpu.memory_space<hbm>>
    tpu.wait_indirect_dma semaphore(%arg15 : memref<!tpu.dma_semaphore, #tpu.memory_space<semaphore_mem>>) src(%dma_wait3A_410 : memref<1000001x16xf32, #tpu.memory_space<hbm>>) dst(%dma_wait3A_404 : memref<128x16xf32, #tpu.memory_space<vmem>>)
    %dma_wait3A_411 = arith.constant 13 : i32
    %dma_wait3A_412 = arith.constant 1664 : i32
    %dma_wait3A_413 = arith.constant 0 : i32
    %dma_wait3A_414 = tpu.memref_slice %arg11[%dma_wait3A_412, %dma_wait3A_413] : memref<2560x16xf32, #tpu.memory_space<vmem>> -> memref<128x16xf32, #tpu.memory_space<vmem>>
    %dma_wait3A_415 = arith.constant 0 : i32
    %dma_wait3A_416 = tpu.memref_slice %arg9[%dma_wait3A_411, %dma_wait3A_415] : memref<20x128xi32, #tpu.memory_space<vmem>> -> memref<1x128xi32, #tpu.memory_space<vmem>>
    %dma_wait3A_417 = tpu.memref_squeeze %dma_wait3A_416 : memref<1x128xi32, #tpu.memory_space<vmem>> -> memref<128xi32, #tpu.memory_space<vmem>>
    %dma_wait3A_418 = arith.constant 0 : i32
    %dma_wait3A_419 = arith.constant 0 : i32
    %dma_wait3A_420 = tpu.memref_slice %arg5[%dma_wait3A_418, %dma_wait3A_419] : memref<1000001x16xf32, #tpu.memory_space<hbm>> -> memref<1000001x16xf32, #tpu.memory_space<hbm>>
    tpu.wait_indirect_dma semaphore(%arg15 : memref<!tpu.dma_semaphore, #tpu.memory_space<semaphore_mem>>) src(%dma_wait3A_420 : memref<1000001x16xf32, #tpu.memory_space<hbm>>) dst(%dma_wait3A_414 : memref<128x16xf32, #tpu.memory_space<vmem>>)
    %dma_wait3A_421 = arith.constant 14 : i32
    %dma_wait3A_422 = arith.constant 1792 : i32
    %dma_wait3A_423 = arith.constant 0 : i32
    %dma_wait3A_424 = tpu.memref_slice %arg11[%dma_wait3A_422, %dma_wait3A_423] : memref<2560x16xf32, #tpu.memory_space<vmem>> -> memref<128x16xf32, #tpu.memory_space<vmem>>
    %dma_wait3A_425 = arith.constant 0 : i32
    %dma_wait3A_426 = tpu.memref_slice %arg9[%dma_wait3A_421, %dma_wait3A_425] : memref<20x128xi32, #tpu.memory_space<vmem>> -> memref<1x128xi32, #tpu.memory_space<vmem>>
    %dma_wait3A_427 = tpu.memref_squeeze %dma_wait3A_426 : memref<1x128xi32, #tpu.memory_space<vmem>> -> memref<128xi32, #tpu.memory_space<vmem>>
    %dma_wait3A_428 = arith.constant 0 : i32
    %dma_wait3A_429 = arith.constant 0 : i32
    %dma_wait3A_430 = tpu.memref_slice %arg5[%dma_wait3A_428, %dma_wait3A_429] : memref<1000001x16xf32, #tpu.memory_space<hbm>> -> memref<1000001x16xf32, #tpu.memory_space<hbm>>
    tpu.wait_indirect_dma semaphore(%arg15 : memref<!tpu.dma_semaphore, #tpu.memory_space<semaphore_mem>>) src(%dma_wait3A_430 : memref<1000001x16xf32, #tpu.memory_space<hbm>>) dst(%dma_wait3A_424 : memref<128x16xf32, #tpu.memory_space<vmem>>)
    %dma_wait3A_431 = arith.constant 15 : i32
    %dma_wait3A_432 = arith.constant 1920 : i32
    %dma_wait3A_433 = arith.constant 0 : i32
    %dma_wait3A_434 = tpu.memref_slice %arg11[%dma_wait3A_432, %dma_wait3A_433] : memref<2560x16xf32, #tpu.memory_space<vmem>> -> memref<128x16xf32, #tpu.memory_space<vmem>>
    %dma_wait3A_435 = arith.constant 0 : i32
    %dma_wait3A_436 = tpu.memref_slice %arg9[%dma_wait3A_431, %dma_wait3A_435] : memref<20x128xi32, #tpu.memory_space<vmem>> -> memref<1x128xi32, #tpu.memory_space<vmem>>
    %dma_wait3A_437 = tpu.memref_squeeze %dma_wait3A_436 : memref<1x128xi32, #tpu.memory_space<vmem>> -> memref<128xi32, #tpu.memory_space<vmem>>
    %dma_wait3A_438 = arith.constant 0 : i32
    %dma_wait3A_439 = arith.constant 0 : i32
    %dma_wait3A_440 = tpu.memref_slice %arg5[%dma_wait3A_438, %dma_wait3A_439] : memref<1000001x16xf32, #tpu.memory_space<hbm>> -> memref<1000001x16xf32, #tpu.memory_space<hbm>>
    tpu.wait_indirect_dma semaphore(%arg15 : memref<!tpu.dma_semaphore, #tpu.memory_space<semaphore_mem>>) src(%dma_wait3A_440 : memref<1000001x16xf32, #tpu.memory_space<hbm>>) dst(%dma_wait3A_434 : memref<128x16xf32, #tpu.memory_space<vmem>>)
    %dma_wait3A_441 = arith.constant 16 : i32
    %dma_wait3A_442 = arith.constant 2048 : i32
    %dma_wait3A_443 = arith.constant 0 : i32
    %dma_wait3A_444 = tpu.memref_slice %arg11[%dma_wait3A_442, %dma_wait3A_443] : memref<2560x16xf32, #tpu.memory_space<vmem>> -> memref<128x16xf32, #tpu.memory_space<vmem>>
    %dma_wait3A_445 = arith.constant 0 : i32
    %dma_wait3A_446 = tpu.memref_slice %arg9[%dma_wait3A_441, %dma_wait3A_445] : memref<20x128xi32, #tpu.memory_space<vmem>> -> memref<1x128xi32, #tpu.memory_space<vmem>>
    %dma_wait3A_447 = tpu.memref_squeeze %dma_wait3A_446 : memref<1x128xi32, #tpu.memory_space<vmem>> -> memref<128xi32, #tpu.memory_space<vmem>>
    %dma_wait3A_448 = arith.constant 0 : i32
    %dma_wait3A_449 = arith.constant 0 : i32
    %dma_wait3A_450 = tpu.memref_slice %arg5[%dma_wait3A_448, %dma_wait3A_449] : memref<1000001x16xf32, #tpu.memory_space<hbm>> -> memref<1000001x16xf32, #tpu.memory_space<hbm>>
    tpu.wait_indirect_dma semaphore(%arg15 : memref<!tpu.dma_semaphore, #tpu.memory_space<semaphore_mem>>) src(%dma_wait3A_450 : memref<1000001x16xf32, #tpu.memory_space<hbm>>) dst(%dma_wait3A_444 : memref<128x16xf32, #tpu.memory_space<vmem>>)
    %dma_wait3A_451 = arith.constant 17 : i32
    %dma_wait3A_452 = arith.constant 2176 : i32
    %dma_wait3A_453 = arith.constant 0 : i32
    %dma_wait3A_454 = tpu.memref_slice %arg11[%dma_wait3A_452, %dma_wait3A_453] : memref<2560x16xf32, #tpu.memory_space<vmem>> -> memref<128x16xf32, #tpu.memory_space<vmem>>
    %dma_wait3A_455 = arith.constant 0 : i32
    %dma_wait3A_456 = tpu.memref_slice %arg9[%dma_wait3A_451, %dma_wait3A_455] : memref<20x128xi32, #tpu.memory_space<vmem>> -> memref<1x128xi32, #tpu.memory_space<vmem>>
    %dma_wait3A_457 = tpu.memref_squeeze %dma_wait3A_456 : memref<1x128xi32, #tpu.memory_space<vmem>> -> memref<128xi32, #tpu.memory_space<vmem>>
    %dma_wait3A_458 = arith.constant 0 : i32
    %dma_wait3A_459 = arith.constant 0 : i32
    %dma_wait3A_460 = tpu.memref_slice %arg5[%dma_wait3A_458, %dma_wait3A_459] : memref<1000001x16xf32, #tpu.memory_space<hbm>> -> memref<1000001x16xf32, #tpu.memory_space<hbm>>
    tpu.wait_indirect_dma semaphore(%arg15 : memref<!tpu.dma_semaphore, #tpu.memory_space<semaphore_mem>>) src(%dma_wait3A_460 : memref<1000001x16xf32, #tpu.memory_space<hbm>>) dst(%dma_wait3A_454 : memref<128x16xf32, #tpu.memory_space<vmem>>)
    %dma_wait3A_461 = arith.constant 18 : i32
    %dma_wait3A_462 = arith.constant 2304 : i32
    %dma_wait3A_463 = arith.constant 0 : i32
    %dma_wait3A_464 = tpu.memref_slice %arg11[%dma_wait3A_462, %dma_wait3A_463] : memref<2560x16xf32, #tpu.memory_space<vmem>> -> memref<128x16xf32, #tpu.memory_space<vmem>>
    %dma_wait3A_465 = arith.constant 0 : i32
    %dma_wait3A_466 = tpu.memref_slice %arg9[%dma_wait3A_461, %dma_wait3A_465] : memref<20x128xi32, #tpu.memory_space<vmem>> -> memref<1x128xi32, #tpu.memory_space<vmem>>
    %dma_wait3A_467 = tpu.memref_squeeze %dma_wait3A_466 : memref<1x128xi32, #tpu.memory_space<vmem>> -> memref<128xi32, #tpu.memory_space<vmem>>
    %dma_wait3A_468 = arith.constant 0 : i32
    %dma_wait3A_469 = arith.constant 0 : i32
    %dma_wait3A_470 = tpu.memref_slice %arg5[%dma_wait3A_468, %dma_wait3A_469] : memref<1000001x16xf32, #tpu.memory_space<hbm>> -> memref<1000001x16xf32, #tpu.memory_space<hbm>>
    tpu.wait_indirect_dma semaphore(%arg15 : memref<!tpu.dma_semaphore, #tpu.memory_space<semaphore_mem>>) src(%dma_wait3A_470 : memref<1000001x16xf32, #tpu.memory_space<hbm>>) dst(%dma_wait3A_464 : memref<128x16xf32, #tpu.memory_space<vmem>>)
    %dma_wait3A_471 = arith.constant 19 : i32
    %dma_wait3A_472 = arith.constant 2432 : i32
    %dma_wait3A_473 = arith.constant 0 : i32
    %dma_wait3A_474 = tpu.memref_slice %arg11[%dma_wait3A_472, %dma_wait3A_473] : memref<2560x16xf32, #tpu.memory_space<vmem>> -> memref<128x16xf32, #tpu.memory_space<vmem>>
    %dma_wait3A_475 = arith.constant 0 : i32
    %dma_wait3A_476 = tpu.memref_slice %arg9[%dma_wait3A_471, %dma_wait3A_475] : memref<20x128xi32, #tpu.memory_space<vmem>> -> memref<1x128xi32, #tpu.memory_space<vmem>>
    %dma_wait3A_477 = tpu.memref_squeeze %dma_wait3A_476 : memref<1x128xi32, #tpu.memory_space<vmem>> -> memref<128xi32, #tpu.memory_space<vmem>>
    %dma_wait3A_478 = arith.constant 0 : i32
    %dma_wait3A_479 = arith.constant 0 : i32
    %dma_wait3A_480 = tpu.memref_slice %arg5[%dma_wait3A_478, %dma_wait3A_479] : memref<1000001x16xf32, #tpu.memory_space<hbm>> -> memref<1000001x16xf32, #tpu.memory_space<hbm>>
    tpu.wait_indirect_dma semaphore(%arg15 : memref<!tpu.dma_semaphore, #tpu.memory_space<semaphore_mem>>) src(%dma_wait3A_480 : memref<1000001x16xf32, #tpu.memory_space<hbm>>) dst(%dma_wait3A_474 : memref<128x16xf32, #tpu.memory_space<vmem>>)
    %get3A = arith.constant 0 : i32
    %get3A_481 = arith.index_cast %get3A : i32 to index
    %get3A_482 = arith.constant 0 : index
    %get3A_483 = tpu.vector_load %arg12[%get3A_481, %get3A_482] {strides = array<i32>} : memref<8x16xf32, #tpu.memory_space<vmem>>, vector<1x16xf32>,
    %get3A_484 = vector.shape_cast %get3A_483 : vector<1x16xf32> to vector<16xf32>
    %get3A_485 = arith.constant 1 : i32
    %get3A_486 = arith.index_cast %get3A_485 : i32 to index
    %get3A_487 = arith.constant 0 : index
    %get3A_488 = tpu.vector_load %arg12[%get3A_486, %get3A_487] {strides = array<i32>} : memref<8x16xf32, #tpu.memory_space<vmem>>, vector<1x16xf32>,
    %get3A_489 = vector.shape_cast %get3A_488 : vector<1x16xf32> to vector<16xf32>
    %get3A_490 = arith.constant 2 : i32
    %get3A_491 = arith.index_cast %get3A_490 : i32 to index
    %get3A_492 = arith.constant 0 : index
    %get3A_493 = tpu.vector_load %arg12[%get3A_491, %get3A_492] {strides = array<i32>} : memref<8x16xf32, #tpu.memory_space<vmem>>, vector<1x16xf32>,
    %get3A_494 = vector.shape_cast %get3A_493 : vector<1x16xf32> to vector<16xf32>
    %get3A_495 = arith.constant 3 : i32
    %get3A_496 = arith.index_cast %get3A_495 : i32 to index
    %get3A_497 = arith.constant 0 : index
    %get3A_498 = tpu.vector_load %arg12[%get3A_496, %get3A_497] {strides = array<i32>} : memref<8x16xf32, #tpu.memory_space<vmem>>, vector<1x16xf32>,
    %get3A_499 = vector.shape_cast %get3A_498 : vector<1x16xf32> to vector<16xf32>
    %get3A_500 = arith.constant 4 : i32
    %get3A_501 = arith.index_cast %get3A_500 : i32 to index
    %get3A_502 = arith.constant 0 : index
    %get3A_503 = tpu.vector_load %arg12[%get3A_501, %get3A_502] {strides = array<i32>} : memref<8x16xf32, #tpu.memory_space<vmem>>, vector<1x16xf32>,
    %get3A_504 = vector.shape_cast %get3A_503 : vector<1x16xf32> to vector<16xf32>
    %get3A_505 = arith.constant 5 : i32
    %get3A_506 = arith.index_cast %get3A_505 : i32 to index
    %get3A_507 = arith.constant 0 : index
    %get3A_508 = tpu.vector_load %arg12[%get3A_506, %get3A_507] {strides = array<i32>} : memref<8x16xf32, #tpu.memory_space<vmem>>, vector<1x16xf32>,
    %get3A_509 = vector.shape_cast %get3A_508 : vector<1x16xf32> to vector<16xf32>
    %scan3A = arith.constant 0 : i32
    %scan3A_510 = arith.constant 0 : i32
    %scan3A_511 = arith.constant 512 : i32
    %scan3A_512 = arith.addi %scan3A_510, %scan3A_511 : i32
    %scan3A_513 = arith.constant 1 : i32
    scf.for %scan3A_515 = %scan3A_510 to %scan3A_512 step %scan3A_513  : i32 {
      %mul3A_516 = arith.constant 5 : i32
      %mul3A_517 = arith.muli %scan3A_515, %mul3A_516 : i32
      %get3A_518 = arith.index_cast %mul3A_517 : i32 to index
      %get3A_519 = arith.constant 0 : index
      %get3A_520 = tpu.vector_load %arg11[%get3A_518, %get3A_519] {strides = array<i32>} : memref<2560x16xf32, #tpu.memory_space<vmem>>, vector<1x16xf32>,
      %get3A_521 = vector.shape_cast %get3A_520 : vector<1x16xf32> to vector<16xf32>
      %mul3A_522 = arith.mulf %get3A_484, %get3A_521 : vector<16xf32>
      %add3A_523 = arith.addf %get3A_509, %mul3A_522 : vector<16xf32>
      %add3A_524 = arith.constant 1 : i32
      %add3A_525 = arith.addi %mul3A_517, %add3A_524 : i32
      %get3A_526 = arith.index_cast %add3A_525 : i32 to index
      %get3A_527 = arith.constant 0 : index
      %get3A_528 = tpu.vector_load %arg11[%get3A_526, %get3A_527] {strides = array<i32>} : memref<2560x16xf32, #tpu.memory_space<vmem>>, vector<1x16xf32>,
      %get3A_529 = vector.shape_cast %get3A_528 : vector<1x16xf32> to vector<16xf32>
      %mul3A_530 = arith.mulf %get3A_489, %get3A_529 : vector<16xf32>
      %add3A_531 = arith.addf %add3A_523, %mul3A_530 : vector<16xf32>
      %add3A_532 = arith.constant 2 : i32
      %add3A_533 = arith.addi %mul3A_517, %add3A_532 : i32
      %get3A_534 = arith.index_cast %add3A_533 : i32 to index
      %get3A_535 = arith.constant 0 : index
      %get3A_536 = tpu.vector_load %arg11[%get3A_534, %get3A_535] {strides = array<i32>} : memref<2560x16xf32, #tpu.memory_space<vmem>>, vector<1x16xf32>,
      %get3A_537 = vector.shape_cast %get3A_536 : vector<1x16xf32> to vector<16xf32>
      %mul3A_538 = arith.mulf %get3A_494, %get3A_537 : vector<16xf32>
      %add3A_539 = arith.addf %add3A_531, %mul3A_538 : vector<16xf32>
      %add3A_540 = arith.constant 3 : i32
      %add3A_541 = arith.addi %mul3A_517, %add3A_540 : i32
      %get3A_542 = arith.index_cast %add3A_541 : i32 to index
      %get3A_543 = arith.constant 0 : index
      %get3A_544 = tpu.vector_load %arg11[%get3A_542, %get3A_543] {strides = array<i32>} : memref<2560x16xf32, #tpu.memory_space<vmem>>, vector<1x16xf32>,
      %get3A_545 = vector.shape_cast %get3A_544 : vector<1x16xf32> to vector<16xf32>
      %mul3A_546 = arith.mulf %get3A_499, %get3A_545 : vector<16xf32>
      %add3A_547 = arith.addf %add3A_539, %mul3A_546 : vector<16xf32>
      %add3A_548 = arith.constant 4 : i32
      %add3A_549 = arith.addi %mul3A_517, %add3A_548 : i32
      %get3A_550 = arith.index_cast %add3A_549 : i32 to index
      %get3A_551 = arith.constant 0 : index
      %get3A_552 = tpu.vector_load %arg11[%get3A_550, %get3A_551] {strides = array<i32>} : memref<2560x16xf32, #tpu.memory_space<vmem>>, vector<1x16xf32>,
      %get3A_553 = vector.shape_cast %get3A_552 : vector<1x16xf32> to vector<16xf32>
      %mul3A_554 = arith.mulf %get3A_504, %get3A_553 : vector<16xf32>
      %add3A_555 = arith.addf %add3A_547, %mul3A_554 : vector<16xf32>
      %get3A_556 = arith.index_cast %scan3A_515 : i32 to index
      %get3A_557 = arith.constant 0 : index
      %get3A_558 = tpu.vector_load %arg10[%get3A_556, %get3A_557] {strides = array<i32>} : memref<512x16xf32, #tpu.memory_space<vmem>>, vector<1x16xf32>,
      %get3A_559 = vector.shape_cast %get3A_558 : vector<1x16xf32> to vector<16xf32>
      %swap3A = arith.index_cast %scan3A_515 : i32 to index
      %swap3A_560 = arith.constant 0 : index
      %swap3A_561 = tpu.vector_load %arg13[%swap3A, %swap3A_560] {strides = array<i32>} : memref<512x48xf32, #tpu.memory_space<vmem>>, vector<1x16xf32>,
      %swap3A_562 = vector.shape_cast %swap3A_561 : vector<1x16xf32> to vector<16xf32>
      %swap3A_563 = vector.shape_cast %get3A_559 : vector<16xf32> to vector<1x16xf32>
      tpu.vector_store %arg13[%swap3A, %swap3A_560], %swap3A_563 {strides = array<i32>} : memref<512x48xf32, #tpu.memory_space<vmem>>, vector<1x16xf32>,
      %mul3A_564 = arith.mulf %get3A_559, %add3A_555 : vector<16xf32>
      %swap3A_565 = arith.index_cast %scan3A_515 : i32 to index
      %swap3A_566 = arith.constant 16 : index
      %swap3A_567 = tpu.vector_load %arg13[%swap3A_565, %swap3A_566] {strides = array<i32>} : memref<512x48xf32, #tpu.memory_space<vmem>>, vector<1x16xf32>,
      %swap3A_568 = vector.shape_cast %swap3A_567 : vector<1x16xf32> to vector<16xf32>
      %swap3A_569 = vector.shape_cast %mul3A_564 : vector<16xf32> to vector<1x16xf32>
      tpu.vector_store %arg13[%swap3A_565, %swap3A_566], %swap3A_569 {strides = array<i32>} : memref<512x48xf32, #tpu.memory_space<vmem>>, vector<1x16xf32>,
      %swap3A_570 = arith.index_cast %scan3A_515 : i32 to index
      %swap3A_571 = arith.constant 32 : index
      %swap3A_572 = tpu.vector_load %arg13[%swap3A_570, %swap3A_571] {strides = array<i32>} : memref<512x48xf32, #tpu.memory_space<vmem>>, vector<1x16xf32>,
      %swap3A_573 = vector.shape_cast %swap3A_572 : vector<1x16xf32> to vector<16xf32>
      %swap3A_574 = vector.shape_cast %add3A_555 : vector<16xf32> to vector<1x16xf32>
      tpu.vector_store %arg13[%swap3A_570, %swap3A_571], %swap3A_574 {strides = array<i32>} : memref<512x48xf32, #tpu.memory_space<vmem>>, vector<1x16xf32>,
    }
    %scan3A_514 = arith.constant 512 : i32
    "tpu.region"() ({
      %run_scoped3A = tpu.sem_alloc : memref<!tpu.dma_semaphore, #tpu.memory_space<semaphore_mem>>
      %dma_start3A_515 = arith.constant 0 : i32
      %dma_start3A_516 = tpu.memref_slice %arg7[%mul3A_2, %dma_start3A_515] : memref<16384x48xf32, #tpu.memory_space<hbm>> -> memref<512x48xf32, #tpu.memory_space<hbm>>
      %dma_start3A_517 = arith.constant 0 : i32
      %dma_start3A_518 = tpu.memref_slice %arg7[%mul3A_2, %dma_start3A_517] : memref<16384x48xf32, #tpu.memory_space<hbm>> -> memref<512x48xf32, #tpu.memory_space<hbm>>
      tpu.enqueue_dma source(%arg13 : memref<512x48xf32, #tpu.memory_space<vmem>>) target(%dma_start3A_518 : memref<512x48xf32, #tpu.memory_space<hbm>>) target_semaphore(%run_scoped3A : memref<!tpu.dma_semaphore, #tpu.memory_space<semaphore_mem>>)
      %dma_wait3A_519 = arith.constant 0 : i32
      %dma_wait3A_520 = tpu.memref_slice %arg7[%mul3A_2, %dma_wait3A_519] : memref<16384x48xf32, #tpu.memory_space<hbm>> -> memref<512x48xf32, #tpu.memory_space<hbm>>
      %dma_wait3A_521 = arith.constant 0 : i32
      %dma_wait3A_522 = tpu.memref_slice %arg7[%mul3A_2, %dma_wait3A_521] : memref<16384x48xf32, #tpu.memory_space<hbm>> -> memref<512x48xf32, #tpu.memory_space<hbm>>
      tpu.wait_dma2 semaphore(%run_scoped3A : memref<!tpu.dma_semaphore, #tpu.memory_space<semaphore_mem>>) src(%arg13 : memref<512x48xf32, #tpu.memory_space<vmem>>) dst(%dma_wait3A_522 : memref<512x48xf32, #tpu.memory_space<hbm>>)
      tpu.yield
    }) : () -> ()
    return
  }
}

</mosaic_0001>

<sc_bundles>
// kernel: kernel.3.cloned.1.call-start
scs
__scs_entry_jumppad:
0x0: {  	(pc) =	sbr.rel $0x88, $3  }
0x1: {  	(tag) =	ssettag $0x0;
	lr =	simm.s32 $0x1  }
0x2: {  	[smem:$0x3F9B] =	sst lr;
	_ =	strace $0xD0000000  }
0x3: {  	_ = 	snop  }
0x4: {  	_ = 	snop  }
0x5: {  	_ = 	snop  }
0x6: {  	_ = 	snop  }
0x7: {  	_ = 	snop  }
__scs_overlays_trampoline_lowered:
0x8: {  	[smem:$0x3FAA] =	sst s0  }
0x9: {  	[smem:$0x3FAB] =	sst s1  }
0xa: {  	[smem:$0x3FAC] =	sst s2  }
0xb: {  	[smem:$0x3FAD] =	sst s3  }
0xc: {  	[smem:$0x3FAE] =	sst s4  }
0xd: {  	[smem:$0x3FAF] =	sst s5  }
0xe: {  	[smem:$0x3FB0] =	sst s6  }
0xf: {  	[smem:$0x3FB1] =	sst s7  }
0x10: {  	[smem:$0x3FB2] =	sst s8  }
0x11: {  	[smem:$0x3FB3] =	sst s9;
	s0 =	simm.s32 @!p0 $0x0  }
0x12: {  	s1 =	sld [smem:$0x3F99];
	s0 =	simm.s32 @p0 $0x1  }
0x13: {  	[smem:$0x3FB4] =	sst s0;
	s0 =	simm.s32 @!p1 $0x0  }
0x14: {  	s2 =	sld [smem:$0x3F98];
	s0 =	simm.s32 @p1 $0x1  }
0x15: {  	[smem:$0x3FB5] =	sst s0;
	s0 =	simm.s32 @!p2 $0x0  }
0x16: {  	s3 =	sld [smem:$0x3FDB];
	s0 =	simm.s32 @p2 $0x1  }
0x17: {  	s4 =	simm.s32 $0x1BF5;
	[smem:$0x3FB7] =	sst s0  }
0x18: {  	s0 =	sld [smem:$0x3F9A];
	_ =	swait.ge [sflag:s4], $0x0  }
0x19: {  	s7 =	sld [smem:$0x3F9B]  }
0x1a: {  	s8 =	sadd.s32 $0xFFFFE003, lr  }
0x1b: {  	s9 =	sadd.s32 $0xFFFFFEF7, lr;
	s5 =	simm.s32 $0xFFFFFFFF;
	p2 =	slt.u32 s8, $0xFFFFF086  }
0x1c: {  	p1 =	slt.u32 s9, $0xF7A;
	s5 =	simm.s32 @!p2 $0x0  }
0x1d: {  	s5 =	simm.s32 @p1 $0x1;
	p0 =	seq.s32 s7, s2  }
0x1e: {  	s7 =	smul.u32 @!p0 $0xF7A, s2;
	p2 =	seq.s32 @!p0 s5, $0x0  }
0x1f: {  	s9 =	smul.u32 $0xF7A, s1;
	s8 =	simm.s32 @!p0 $0x1BF5;
	p2 =	por !p2, p0  }
0x20: {  	[sflag:s8] =	ssyncset.s32 @!p0 $0xFFFFF086;
	s6 =	sadd.s32 @!p0 s3, s7;
	s7 =	simm.s32 @!p0 $0x108  }
0x21: {  	s3 =	sadd.s32 s3, s9;
	s6 =	sadd.s32 @!p0 $0x88, s6;
	s7 =	simm.s32 @p2 $0x1082  }
0x22: {  	[simem:s7], [sflag:s8] =	dma.local @!p0 [hbm:s6], $0xF7A  }
0x23: {  	s9 =	sor.u32 $0xD0000000, s2;
	s6 =	simm.s32 $0x108;
	_ =	swait.ge @!p0 [sflag:s8], $0x0  }
0x24: {  	s3 =	sadd.s32 $0x88, s3;
	s6 =	simm.s32 @!p1 $0x1082;
	[sflag:s4] =	ssyncset.s32 $0xFFFFF086  }
0x25: {  	[simem:s6], [sflag:s4] =	dma.local [hbm:s3], $0xF7A  }
0x26: {  	[smem:$0x3F9B] =	sst s1;
	(tag) =	ssettag s2;
	_ =	strace s9  }
0x27: {  	s1 =	sld [smem:$0x3FAB]  }
0x28: {  	s2 =	sld [smem:$0x3FAC]  }
0x29: {  	s4 =	sld [smem:$0x3FAE]  }
0x2a: {  	p0 =	seq.s32 s5, $0x0;
	s5 =	sld [smem:$0x3FAF]  }
0x2b: {  	s6 =	sld [smem:$0x3FB0]  }
0x2c: {  	s7 =	sld [smem:$0x3FB1]  }
0x2d: {  	s3 =	simm.s32 $0x108;
	s8 =	sld [smem:$0x3FB2]  }
0x2e: {  	s3 =	simm.s32 @!p0 $0x1082;
	s9 =	sld [smem:$0x3FB3]  }
0x2f: {  	lr =	sadd.s32 s0, s3;
	s0 =	sld [smem:$0x3FAA]  }
0x30: {  	s3 =	sld [smem:$0x3FAD]  }
0x31: {  	[smem:$0x3FB6] =	sst s10  }
0x32: {  	s10 =	sld [smem:$0x3FB4];
	_ =	sdelay $0x3  }
0x33: {  	p0 =	seq.s32 s10, $0x1;
	s10 =	sld [smem:$0x3FB6];
	_ =	sdelay $0x3  }
0x34: {  	[smem:$0x3FB6] =	sst s10  }
0x35: {  	s10 =	sld [smem:$0x3FB5];
	_ =	sdelay $0x3  }
0x36: {  	p1 =	seq.s32 s10, $0x1;
	s10 =	sld [smem:$0x3FB6];
	_ =	sdelay $0x3  }
0x37: {  	[smem:$0x3FB6] =	sst s10  }
0x38: {  	s10 =	sld [smem:$0x3FB7]  }
0x39: {  	_ = 	snop;
	(pc) =	sbr.ind lr, $3  }
0x3a: {  	_ = 	snop  }
0x3b: {  	_ = 	snop  }
0x3c: {  	p2 =	seq.s32 s10, $0x1;
	s10 =	sld [smem:$0x3FB6]  }
0x3d: {  	_ =	shalt  }
0x3e: {  	_ =	shalt  }
0x3f: {  	_ =	shalt  }
0x40: {  	_ =	shalt  }
0x41: {  	_ =	shalt  }
0x42: {  	_ =	shalt  }
0x43: {  	_ =	shalt  }
0x44: {  	_ =	shalt  }
0x45: {  	_ =	shalt  }
0x46: {  	_ =	shalt  }
0x47: {  	_ =	shalt  }
0x48: {  	_ =	shalt  }
0x49: {  	_ =	shalt  }
0x4a: {  	_ =	shalt  }
0x4b: {  	_ =	shalt  }
0x4c: {  	_ =	shalt  }
0x4d: {  	_ =	shalt  }
0x4e: {  	_ =	shalt  }
0x4f: {  	_ =	shalt  }
0x50: {  	_ =	shalt  }
0x51: {  	_ =	shalt  }
0x52: {  	_ =	shalt  }
0x53: {  	_ =	shalt  }
0x54: {  	_ =	shalt  }
0x55: {  	_ =	shalt  }
0x56: {  	_ =	shalt  }
0x57: {  	_ =	shalt  }
0x58: {  	_ =	shalt  }
0x59: {  	_ =	shalt  }
0x5a: {  	_ =	shalt  }
0x5b: {  	_ =	shalt  }
0x5c: {  	_ =	shalt  }
0x5d: {  	_ =	shalt  }
0x5e: {  	_ =	shalt  }
0x5f: {  	_ =	shalt  }
0x60: {  	_ =	shalt  }
0x61: {  	_ =	shalt  }
0x62: {  	_ =	shalt  }
0x63: {  	_ =	shalt  }
0x64: {  	_ =	shalt  }
0x65: {  	_ =	shalt  }
0x66: {  	_ =	shalt  }
0x67: {  	_ =	shalt  }
0x68: {  	_ =	shalt  }
0x69: {  	_ =	shalt  }
0x6a: {  	_ =	shalt  }
0x6b: {  	_ =	shalt  }
0x6c: {  	_ =	shalt  }
0x6d: {  	_ =	shalt  }
0x6e: {  	_ =	shalt  }
0x6f: {  	_ =	shalt  }
0x70: {  	_ =	shalt  }
0x71: {  	_ =	shalt  }
0x72: {  	_ =	shalt  }
0x73: {  	_ =	shalt  }
0x74: {  	_ =	shalt  }
0x75: {  	_ =	shalt  }
0x76: {  	_ =	shalt  }
0x77: {  	_ =	shalt  }
0x78: {  	_ =	shalt  }
0x79: {  	_ =	shalt  }
0x7a: {  	_ =	shalt  }
0x7b: {  	_ =	shalt  }
0x7c: {  	_ =	shalt  }
0x7d: {  	_ =	shalt  }
0x7e: {  	_ =	shalt  }
0x7f: {  	_ =	shalt  }
0x80: {  	_ =	shalt  }
0x81: {  	_ =	shalt  }
0x82: {  	_ =	shalt  }
0x83: {  	_ =	shalt  }
0x84: {  	_ =	shalt  }
0x85: {  	_ =	shalt  }
0x86: {  	_ =	shalt  }
0x87: {  	_ =	shalt  }
.Lfunc_end0:
.L_simem_size_0:
called_computation_lowered:
.L_overlay_start_0:
0x88: {  	s2 =	sld [smem:$0x3FD9]  }
0x89: {  	s3 =	sld [smem:$0x3FFE];
	_ =	sdelay $0x1  }
0x8a: {  	s1 =	srdreg.scid  }
0x8b: {  	s0 =	sand.u32 $0x1, s1  }
0x8c: {  	s17 =	sshll.u32 s0, $0xA;
	s2 =	sadd.s32 s3, s2  }
0x8d: {  	s2 =	sadd.s32 s2, s17  }
0x8e: {  	[smem:$0x3FC2] =	sst s2  }
0x8f: {  	_ = 	snop  }
0x90: {  	s2 =	sld [smem:$0x3FC9]  }
0x91: {  	s18 =	sld [smem:$0x3FD0];
	(tm) =	ssettm $0x1  }
0x92: {  	s4 =	sld [smem:$0x3FFB];
	_ =	sdelay $0x3  }
0x93: {  	_ =	strace s4  }
0x94: {  	s4 =	sld [smem:$0x3FFC];
	_ =	sdelay $0x3  }
0x95: {  	_ =	strace s4  }
0x96: {  	s4 =	sld [smem:$0x3FFD];
	_ =	sdelay $0x3  }
0x97: {  	_ =	strace s4  }
0x98: {  	_ =	strace $0x8FFFFFFF  }
0x99: {  	s19 =	sld [smem:$0x3FDB];
	_ =	sdelay $0x1  }
0x9a: {  	s5 =	simm.s32 $_scs_section_size  }
0x9b: {  	s6 =	simm.s32 $_size__tile_overlayer_lowered;
	s7 =	simm.s32 $_tile_overlayer_lowered  }
0x9c: {  	s22 =	simm.s32 $0x1BFF;
	s21 =	sshll.u32 s7, $0x1;
	s4 =	sadd.s32 s5, s19  }
0x9d: {  	s8 =	simm.s32 $0x0;
	s20 =	sshll.u32 s6, $0x1;
	s6 =	sadd.s32 s21, s4  }
0x9e: {  	[timem:s8], [sflag:s22] =	dma.local [hbm:s6], s20  }
0x9f: {  	_ =	swait.ge [sflag:s22], s20  }
0xa0: {  	s5 =	ssub.s32 $0x0, s20;
	[sflag:s22] =	ssyncset.done $0x0  }
0xa1: {  	[sflag:s22] =	ssyncadd.s32 s5;
	_ =	sdelay $0x1  }
0xa2: {  	s23 =	simm.s32 $0x1B8B  }
0xa3: {  	_ =	swait.ge [sflag:s23], $0x1  }
0xa4: {  	[sflag:s23] =	ssyncset.done $0x0  }
0xa5: {  	s25 =	simm.s32 $0x1B8E;
	s24 =	sld [smem:$0x3FFE];
	[sflag:s23] =	ssyncadd.s32 $0xFFFFFFFF  }
0xa6: {  	s26 =	simm.s32 $execute0_lowered;
	[smem:$0x3FD2] =	sst s25  }
0xa7: {  	s6 =	sshll.u32 s26, $0x1;
	_ =	strace $0x80000046;
	[dreg:$0x1] =	wrdreg $0xFFFFFFFF  }
0xa8: {  	s28 =	simm.s32 $_size_execute0_lowered;
	s4 =	sadd.s32 s4, s6;
	[dreg:$0x0] =	wrdreg $0x0  }
0xa9: {  	s6 =	sshll.u32 s28, $0x1;
	[dreg:$0x2] =	wrdreg s4  }
0xaa: {  	[dreg:$0x3] =	wrdreg s6  }
0xab: {  	[dreg:$0x4] =	wrdreg $0xC0  }
0xac: {  	_ =	task [dreg:s8], $0x5FFFF  }
0xad: {  	[dreg:$0x1] =	wrdreg $0xFFFFFFFF  }
0xae: {  	[dreg:$0x0] =	wrdreg $0x60  }
0xaf: {  	[dreg:$0x2] =	wrdreg s2  }
0xb0: {  	[dreg:$0x3] =	wrdreg s24  }
0xb1: {  	[dreg:$0x4] =	wrdreg s18  }
0xb2: {  	[dreg:$0x5] =	wrdreg $0x9  }
0xb3: {  	_ =	task.clear_ibuf [dreg:s8], $0x6FFFF;
	_ =	strace $0x90000046  }
0xb4: {  	s29 =	simm.s32 $0x9;
	_ =	strace $0x80000048  }
0xb5: {  	_ =	swait.ge [sflag:s29], $0x1  }
0xb6: {  	[sflag:s29] =	ssyncadd.s32 $0xFFFFFFFF  }
0xb7: {  	_ =	strace $0x90000048  }
0xb8: {  	_ =	sfence  }
0xb9: {  	s30 =	sld [smem:$0x0];
	_ =	sdelay $0x2  }
0xba: {  	s31 =	sshll.u32 s1, $0xD;
	s1 =	sshrl.u32 s1, $0x2  }
0xbb: {  	s3 =	sand.u32 $0x4000, s31;
	s1 =	sadd.s32 s1, s30  }
0xbc: {  	s0 =	sor.u32 s3, s0;
	s1 =	sshll.u32 s1, $0x11  }
0xbd: {  	s0 =	sor.u32 s1, s0  }
0xbe: {  	s0 =	sadd.s32 $0x8F2B, s0  }
0xbf: {  	[sflag:s0] =	ssyncadd.remote.s32 $0x1  }
0xc0: {  	_ =	sfence.sel $0xFFFF  }
0xc1: {  	[dreg:$0x0] =	wrdreg $0xFFFFFFFF;
	(pc) =	sbr.abs _section_cstart, $3  }
0xc2: {  	[dreg:$0x1] =	wrdreg $0xFFFFFFFF  }
0xc3: {  	_ =	task.clear_ibuf [dreg:s8], $0x2FFFF;
	_ =	strace $0x9FFFFFFF  }
0xc4: {  	(tm) =	ssettm $0x7FFFFFFF  }
0xc5: {  	_ =	shalt  }
tec
execute0_lowered:
.L_overlay_start_1:
0x0: {  	(tag) =	ssettag $0x1  }
0x1: {  	s0 =	rddreg [dreg:$0x0]  }
0x2: {  	s1 =	rddreg [dreg:$0x1]  }
0x3: {  	s2 =	srdreg.scid;
	s3 =	stileid.u32  }
0x4: {  	s8 =	rddreg [dreg:$0x2];
	s13 =	simm.s32 $0x80;
	s29 =	simm.s32 $0x9C00  }
0x5: {  	s30 =	simm.s32 $0x980;
	s31 =	simm.s32 $0xA400;
	s12 =	simm.s32 $0xA80  }
0x6: {  	s14 =	simm.s32 $0xB400;
	s15 =	simm.s32 $0xB00;
	s16 =	simm.s32 $0xBC00  }
0x7: {  	s17 =	simm.s32 $0xB80;
	s18 =	simm.s32 $0xC400;
	s19 =	simm.s32 $0x1  }
0x8: {  	s20 =	simm.s32 $0x2;
	s21 =	simm.s32 $0xCC80;
	s22 =	simm.s32 $0x0  }
0x9: {  	s4 =	sand.u32 $0x1, s2;
	s3 =	sshll.u32 s3, $0x1;
	s2 =	simm.s32 $0x0  }
0xa: {  	s5 =	sadd.s32 $0x3000, s1;
	s6 =	sor.u32 s4, s3;
	[smem:$0x7FF] =	sst s2  }
0xb: {  	s9 =	ssub.s32 $0x2, s4;
	s4 =	sadd.s32 $0xF42E00, s1;
	s3 =	smul.u32 $0x140, s6  }
0xc: {  	s10 =	sshrl.u32 s9, $0x1;
	s11 =	smul.u32 $0xC00, s6;
	s6 =	sshll.u32 s6, $0x6  }
0xd: {  	_ =	strace $0x80000047;
	s28 =	ssub.s32 s9, s10;
	s6 =	sadd.s32 s0, s6  }
0xe: {  	s10 =	simm.s32 $0x3;
	s0 =	simm.s32 $0xAC00;
	s7 =	sadd.s32 s3, s1  }
0xf: {  	s3 =	sadd.s32 $0x112B400, s1;
	s8 =	sadd.s32 s8, s11;
	s9 =	smax.u32 s28, $0x1  }
0x10: {  	s11 =	simm.s32 $0x200;
	s1 =	simm.s32 $0xA00;
	s7 =	sadd.s32 $0x800, s7  }
.LBB2_1:
0x11: {  	[tilespmem:s2], [sflag:$0x3] =	stream.linear.gather [hbm4b:s6+s2], $0x200, $0x38;
	[tilespmem:$0x12C80] =	vst v63  }
0x12: {  	_ =	swait.ge [sflag:s10], $0x200  }
0x13: {  	[sflag:s10] =	ssyncset.done $0x0  }
0x14: {  	[sflag:s10] =	ssyncadd.s32 $0xFFFFFE00  }
0x15: {  	[tilespmem:s11], [sflag:$0x3] =	stream.linear.gather [hbm4b:s7+s2], $0xA00, $0x38;
	[tilespmem:$0x12C80] =	vst v63  }
0x16: {  	_ =	swait.ge [sflag:s10], $0xA00  }
0x17: {  	[sflag:s10] =	ssyncset.done $0x0  }
0x18: {  	s23 =	simm.s32 $0xCC00;
	[sflag:s10] =	ssyncadd.s32 $0xFFFFF600  }
0x19: {  	[tilespmem:s23], [sflag:$0x3] =	stream.linear.gather [hbm4b:s5+s2], $0x80, $0x38;
	[tilespmem:$0x12C80] =	vst v63  }
0x1a: {  	_ =	swait.ge [sflag:s10], $0x80  }
0x1b: {  	[sflag:s10] =	ssyncset.done $0x0  }
0x1c: {  	s28 =	simm.s32 $0xC00;
	[sflag:s10] =	ssyncadd.s32 $0xFFFFFF80  }
0x1d: {  	[tilespmem:s28], [sflag:$0x1] =	stream.indirect.gather [hbm4b:s3+s13], $0x10, s2, s13, $0xb8;
	[tilespmem:$0x12C80] =	vst v63  }
0x1e: {  	s24 =	simm.s32 $0x1400  }
0x1f: {  	[tilespmem:s24], [sflag:$0x1] =	stream.indirect.gather [hbm4b:s3+s13], $0x10, s13, s13, $0xb8;
	[tilespmem:$0x12C80] =	vst v63  }
0x20: {  	s25 =	simm.s32 $0x100;
	s24 =	simm.s32 $0x1C00  }
0x21: {  	[tilespmem:s24], [sflag:$0x1] =	stream.indirect.gather [hbm4b:s3+s13], $0x10, s25, s13, $0xb8;
	[tilespmem:$0x12C80] =	vst v63  }
0x22: {  	s26 =	simm.s32 $0x180;
	s28 =	simm.s32 $0x2400  }
0x23: {  	[tilespmem:s28], [sflag:$0x1] =	stream.indirect.gather [hbm4b:s3+s13], $0x10, s26, s13, $0xb8;
	[tilespmem:$0x12C80] =	vst v63  }
0x24: {  	s25 =	simm.s32 $0x2C00  }
0x25: {  	[tilespmem:s25], [sflag:$0x2] =	stream.indirect.gather [hbm4b:s4+s13], $0x10, s11, s13, $0xb8;
	[tilespmem:$0x12C80] =	vst v63  }
0x26: {  	s26 =	simm.s32 $0x280;
	s28 =	simm.s32 $0x3400  }
0x27: {  	[tilespmem:s28], [sflag:$0x2] =	stream.indirect.gather [hbm4b:s4+s13], $0x10, s26, s13, $0xb8;
	[tilespmem:$0x12C80] =	vst v63  }
0x28: {  	s24 =	simm.s32 $0x300;
	s25 =	simm.s32 $0x3C00  }
0x29: {  	[tilespmem:s25], [sflag:$0x2] =	stream.indirect.gather [hbm4b:s4+s13], $0x10, s24, s13, $0xb8;
	[tilespmem:$0x12C80] =	vst v63  }
0x2a: {  	s26 =	simm.s32 $0x380;
	s28 =	simm.s32 $0x4400  }
0x2b: {  	[tilespmem:s28], [sflag:$0x2] =	stream.indirect.gather [hbm4b:s4+s13], $0x10, s26, s13, $0xb8;
	[tilespmem:$0x12C80] =	vst v63  }
0x2c: {  	s24 =	simm.s32 $0x400;
	s25 =	simm.s32 $0x4C00  }
0x2d: {  	[tilespmem:s25], [sflag:$0x2] =	stream.indirect.gather [hbm4b:s4+s13], $0x10, s24, s13, $0xb8;
	[tilespmem:$0x12C80] =	vst v63  }
0x2e: {  	s26 =	simm.s32 $0x480;
	s28 =	simm.s32 $0x5400  }
0x2f: {  	[tilespmem:s28], [sflag:$0x2] =	stream.indirect.gather [hbm4b:s4+s13], $0x10, s26, s13, $0xb8;
	[tilespmem:$0x12C80] =	vst v63  }
0x30: {  	s24 =	simm.s32 $0x500;
	s25 =	simm.s32 $0x5C00  }
0x31: {  	[tilespmem:s25], [sflag:$0x2] =	stream.indirect.gather [hbm4b:s4+s13], $0x10, s24, s13, $0xb8;
	[tilespmem:$0x12C80] =	vst v63  }
0x32: {  	s26 =	simm.s32 $0x580;
	s28 =	simm.s32 $0x6400  }
0x33: {  	[tilespmem:s28], [sflag:$0x2] =	stream.indirect.gather [hbm4b:s4+s13], $0x10, s26, s13, $0xb8;
	[tilespmem:$0x12C80] =	vst v63  }
0x34: {  	s24 =	simm.s32 $0x600;
	s25 =	simm.s32 $0x6C00  }
0x35: {  	[tilespmem:s25], [sflag:$0x2] =	stream.indirect.gather [hbm4b:s4+s13], $0x10, s24, s13, $0xb8;
	[tilespmem:$0x12C80] =	vst v63  }
0x36: {  	s26 =	simm.s32 $0x680;
	s28 =	simm.s32 $0x7400  }
0x37: {  	[tilespmem:s28], [sflag:$0x2] =	stream.indirect.gather [hbm4b:s4+s13], $0x10, s26, s13, $0xb8;
	[tilespmem:$0x12C80] =	vst v63  }
0x38: {  	s24 =	simm.s32 $0x700;
	s25 =	simm.s32 $0x7C00  }
0x39: {  	[tilespmem:s25], [sflag:$0x2] =	stream.indirect.gather [hbm4b:s4+s13], $0x10, s24, s13, $0xb8;
	[tilespmem:$0x12C80] =	vst v63  }
0x3a: {  	s26 =	simm.s32 $0x780;
	s28 =	simm.s32 $0x8400  }
0x3b: {  	[tilespmem:s28], [sflag:$0x2] =	stream.indirect.gather [hbm4b:s4+s13], $0x10, s26, s13, $0xb8;
	[tilespmem:$0x12C80] =	vst v63  }
0x3c: {  	s24 =	simm.s32 $0x800;
	s25 =	simm.s32 $0x8C00  }
0x3d: {  	[tilespmem:s25], [sflag:$0x2] =	stream.indirect.gather [hbm4b:s4+s13], $0x10, s24, s13, $0xb8;
	[tilespmem:$0x12C80] =	vst v63  }
0x3e: {  	s26 =	simm.s32 $0x880;
	s28 =	simm.s32 $0x9400  }
0x3f: {  	[tilespmem:s28], [sflag:$0x2] =	stream.indirect.gather [hbm4b:s4+s13], $0x10, s26, s13, $0xb8;
	[tilespmem:$0x12C80] =	vst v63  }
0x40: {  	s25 =	simm.s32 $0x900  }
0x41: {  	[tilespmem:s29], [sflag:$0x2] =	stream.indirect.gather [hbm4b:s4+s13], $0x10, s25, s13, $0xb8;
	[tilespmem:$0x12C80] =	vst v63  }
0x42: {  	_ = 	snop  }
0x43: {  	[tilespmem:s31], [sflag:$0x2] =	stream.indirect.gather [hbm4b:s4+s13], $0x10, s30, s13, $0xb8;
	[tilespmem:$0x12C80] =	vst v63  }
0x44: {  	_ = 	snop  }
0x45: {  	[tilespmem:s0], [sflag:$0x2] =	stream.indirect.gather [hbm4b:s4+s13], $0x10, s1, s13, $0xb8;
	[tilespmem:$0x12C80] =	vst v63  }
0x46: {  	_ = 	snop  }
0x47: {  	[tilespmem:s14], [sflag:$0x2] =	stream.indirect.gather [hbm4b:s4+s13], $0x10, s12, s13, $0xb8;
	[tilespmem:$0x12C80] =	vst v63  }
0x48: {  	_ = 	snop  }
0x49: {  	[tilespmem:s16], [sflag:$0x2] =	stream.indirect.gather [hbm4b:s4+s13], $0x10, s15, s13, $0xb8;
	[tilespmem:$0x12C80] =	vst v63  }
0x4a: {  	_ = 	snop  }
0x4b: {  	[tilespmem:s18], [sflag:$0x2] =	stream.indirect.gather [hbm4b:s4+s13], $0x10, s17, s13, $0xb8;
	[tilespmem:$0x12C80] =	vst v63  }
0x4c: {  	_ =	swait.ge [sflag:s19], $0x800  }
0x4d: {  	[sflag:s19] =	ssyncset.done $0x0  }
0x4e: {  	[sflag:s19] =	ssyncadd.s32 $0xFFFFF800  }
0x4f: {  	_ =	swait.ge [sflag:s19], $0x800  }
0x50: {  	[sflag:s19] =	ssyncset.done $0x0  }
0x51: {  	[sflag:s19] =	ssyncadd.s32 $0xFFFFF800  }
0x52: {  	_ =	swait.ge [sflag:s19], $0x800  }
0x53: {  	[sflag:s19] =	ssyncset.done $0x0  }
0x54: {  	[sflag:s19] =	ssyncadd.s32 $0xFFFFF800  }
0x55: {  	_ =	swait.ge [sflag:s19], $0x800  }
0x56: {  	[sflag:s19] =	ssyncset.done $0x0  }
0x57: {  	[sflag:s19] =	ssyncadd.s32 $0xFFFFF800  }
0x58: {  	_ =	swait.ge [sflag:s20], $0x800  }
0x59: {  	[sflag:s20] =	ssyncset.done $0x0  }
0x5a: {  	[sflag:s20] =	ssyncadd.s32 $0xFFFFF800  }
0x5b: {  	_ =	swait.ge [sflag:s20], $0x800  }
0x5c: {  	[sflag:s20] =	ssyncset.done $0x0  }
0x5d: {  	[sflag:s20] =	ssyncadd.s32 $0xFFFFF800  }
0x5e: {  	_ =	swait.ge [sflag:s20], $0x800  }
0x5f: {  	[sflag:s20] =	ssyncset.done $0x0  }
0x60: {  	[sflag:s20] =	ssyncadd.s32 $0xFFFFF800  }
0x61: {  	_ =	swait.ge [sflag:s20], $0x800  }
0x62: {  	[sflag:s20] =	ssyncset.done $0x0  }
0x63: {  	[sflag:s20] =	ssyncadd.s32 $0xFFFFF800  }
0x64: {  	_ =	swait.ge [sflag:s20], $0x800  }
0x65: {  	[sflag:s20] =	ssyncset.done $0x0  }
0x66: {  	[sflag:s20] =	ssyncadd.s32 $0xFFFFF800  }
0x67: {  	_ =	swait.ge [sflag:s20], $0x800  }
0x68: {  	[sflag:s20] =	ssyncset.done $0x0  }
0x69: {  	[sflag:s20] =	ssyncadd.s32 $0xFFFFF800  }
0x6a: {  	_ =	swait.ge [sflag:s20], $0x800  }
0x6b: {  	[sflag:s20] =	ssyncset.done $0x0  }
0x6c: {  	[sflag:s20] =	ssyncadd.s32 $0xFFFFF800  }
0x6d: {  	_ =	swait.ge [sflag:s20], $0x800  }
0x6e: {  	[sflag:s20] =	ssyncset.done $0x0  }
0x6f: {  	[sflag:s20] =	ssyncadd.s32 $0xFFFFF800  }
0x70: {  	_ =	swait.ge [sflag:s20], $0x800  }
0x71: {  	[sflag:s20] =	ssyncset.done $0x0  }
0x72: {  	[sflag:s20] =	ssyncadd.s32 $0xFFFFF800  }
0x73: {  	_ =	swait.ge [sflag:s20], $0x800  }
0x74: {  	[sflag:s20] =	ssyncset.done $0x0  }
0x75: {  	[sflag:s20] =	ssyncadd.s32 $0xFFFFF800  }
0x76: {  	_ =	swait.ge [sflag:s20], $0x800  }
0x77: {  	[sflag:s20] =	ssyncset.done $0x0  }
0x78: {  	[sflag:s20] =	ssyncadd.s32 $0xFFFFF800  }
0x79: {  	_ =	swait.ge [sflag:s20], $0x800  }
0x7a: {  	[sflag:s20] =	ssyncset.done $0x0  }
0x7b: {  	[sflag:s20] =	ssyncadd.s32 $0xFFFFF800  }
0x7c: {  	_ =	swait.ge [sflag:s20], $0x800  }
0x7d: {  	[sflag:s20] =	ssyncset.done $0x0  }
0x7e: {  	[sflag:s20] =	ssyncadd.s32 $0xFFFFF800  }
0x7f: {  	_ =	swait.ge [sflag:s20], $0x800  }
0x80: {  	[sflag:s20] =	ssyncset.done $0x0  }
0x81: {  	[sflag:s20] =	ssyncadd.s32 $0xFFFFF800  }
0x82: {  	_ =	swait.ge [sflag:s20], $0x800  }
0x83: {  	[sflag:s20] =	ssyncset.done $0x0  }
0x84: {  	[sflag:s20] =	ssyncadd.s32 $0xFFFFF800  }
0x85: {  	_ =	swait.ge [sflag:s20], $0x800  }
0x86: {  	[sflag:s20] =	ssyncset.done $0x0  }
0x87: {  	[sflag:s20] =	ssyncadd.s32 $0xFFFFF800  }
0x88: {  	_ =	swait.ge [sflag:s20], $0x800  }
0x89: {  	[sflag:s20] =	ssyncset.done $0x0  }
0x8a: {  	[sflag:s20] =	ssyncadd.s32 $0xFFFFF800  }
0x8b: {  	_ =	swait.ge [sflag:s20], $0x800  }
0x8c: {  	[sflag:s20] =	ssyncset.done $0x0  }
0x8d: {  	[sflag:s20] =	ssyncadd.s32 $0xFFFFF800  }
0x8e: {  	_ =	swait.ge [sflag:s20], $0x800  }
0x8f: {  	[sflag:s20] =	ssyncset.done $0x0  }
0x90: {  	[sflag:s20] =	ssyncadd.s32 $0xFFFFF800  }
0x91: {  	_ =	swait.ge [sflag:s20], $0x800  }
0x92: {  	[sflag:s20] =	ssyncset.done $0x0  }
0x93: {  	[sflag:s20] =	ssyncadd.s32 $0xFFFFF800  }
0x94: {  	v2 =	vld [tilespmem:$0xCC00]  }
0x95: {  	s26 =	simm.s32 $0x2C20;
	v0 =	vld [tilespmem:$0xCC10]  }
0x96: {  	v1 =	vld [tilespmem:s26+$0xFFFFFFE0]  }
0x97: {  	v5 =	vld [tilespmem:$0xCC50]  }
0x98: {  	v6 =	vld [tilespmem:s26+$0xFFFFFFF0]  }
0x99: {  	v3 =	vld [tilespmem:$0xCC20]  }
0x9a: {  	v7 =	vld [tilespmem:s26+$0x0]  }
0x9b: {  	v4 =	vld [tilespmem:$0xCC30];
	v8 =	vmul.f32 v1, v2  }
0x9c: {  	v9 =	vld [tilespmem:s26+$0x10]  }
0x9d: {  	v10 =	vld [tilespmem:s26+$0x20];
	v6 =	vmul.f32 v6, v0;
	v8 =	vadd.f32 v8, v5  }
0x9e: {  	v1 =	vld [tilespmem:$0xCC40]  }
0x9f: {  	v7 =	vmul.f32 v7, v3;
	v6 =	vadd.f32 v6, v8;
	_ =	sdelay $0x1  }
0xa0: {  	s28 =	simm.s32 $0x0;
	v6 =	vadd.f32 v7, v6;
	v7 =	vmul.f32 v9, v4  }
0xa1: {  	v8 =	vld [tilespmem:s28+$0xC00]  }
0xa2: {  	v6 =	vadd.f32 v7, v6;
	v7 =	vmul.f32 v10, v1;
	_ =	sdelay $0x1  }
0xa3: {  	v6 =	vadd.f32 v7, v6  }
0xa4: {  	s23 =	simm.s32 $0xCCA0  }
0xa5: {  	[tilespmem:s23+$0xFFFFFFE0] =	vst v8;
	v7 =	vmul.f32 v6, v8  }
0xa6: {  	[tilespmem:s23+$0x0] =	vst v6  }
0xa7: {  	s25 =	simm.s32 $0x2C70;
	[tilespmem:s23+$0xFFFFFFF0] =	vst v7  }
0xa8: {  	s24 =	simm.s32 $0x40;
	s26 =	simm.s32 $0x80;
	v6 =	vld [tilespmem:s25+$0xFFFFFFE0]  }
.LBB2_2:
0xa9: {  	p0 =	sne.s32 s26, $0x7FC0;
	v7 =	vld [tilespmem:s25+$0x0]  }
0xaa: {  	v8 =	vld [tilespmem:s25+$0xFFFFFFF0]  }
0xab: {  	v9 =	vld [tilespmem:s25+$0x10]  }
0xac: {  	v10 =	vld [tilespmem:s25+$0x20]  }
0xad: {  	v6 =	vmul.f32 v6, v2;
	_ =	sdelay $0x1  }
0xae: {  	v6 =	vadd.f32 v6, v5;
	v8 =	vmul.f32 v8, v0;
	_ =	sdelay $0x1  }
0xaf: {  	v7 =	vmul.f32 v7, v3;
	v6 =	vadd.f32 v8, v6;
	_ =	sdelay $0x1  }
0xb0: {  	s28 =	sshra.s32 s24, $0x2;
	s24 =	smov.u32 s26;
	v6 =	vadd.f32 v7, v6;
	v7 =	vmul.f32 v9, v4  }
0xb1: {  	v8 =	vld [tilespmem:s28+$0xC00]  }
0xb2: {  	v6 =	vadd.f32 v7, v6;
	v7 =	vmul.f32 v10, v1;
	_ =	sdelay $0x1  }
0xb3: {  	v6 =	vadd.f32 v7, v6  }
.Ltmp0:
0xb4: {  	s23 =	sadd.s32 $0x30, s23;
	(pc) =	sbr.rel @p0 .LBB2_2-.Ltmp0, $4  }
0xb5: {  	v7 =	vmul.f32 v6, v8;
	[tilespmem:s23+$0x0] =	vst v6  }
0xb6: {  	[tilespmem:s23+$0xFFFFFFE0] =	vst v8  }
0xb7: {  	s25 =	sadd.s32 $0x50, s25;
	[tilespmem:s23+$0xFFFFFFF0] =	vst v7  }
0xb8: {  	s26 =	sadd.s32 $0x40, s26;
	v6 =	vld [tilespmem:s25+$0xFFFFFFE0]  }
0xb9: {  	_ = 	snop  }
0xba: {  	v7 =	vld [tilespmem:s25+$0xFFFFFFF0];
	_ =	sdelay $0x1  }
0xbb: {  	v8 =	vld [tilespmem:s25+$0x0]  }
0xbc: {  	v2 =	vmul.f32 v6, v2  }
0xbd: {  	v59 =	vld [tilespmem:s25+$0x10]  }
0xbe: {  	v0 =	vmul.f32 v7, v0;
	v2 =	vadd.f32 v2, v5  }
0xbf: {  	v60 =	vld [tilespmem:s25+$0x20]  }
0xc0: {  	v61 =	vmul.f32 v8, v3;
	v0 =	vadd.f32 v0, v2;
	_ =	sdelay $0x1  }
0xc1: {  	s24 =	sshra.s32 s24, $0x2;
	v62 =	vmul.f32 v59, v4;
	v0 =	vadd.f32 v61, v0  }
0xc2: {  	v63 =	vld [tilespmem:s24+$0xC00]  }
0xc3: {  	v1 =	vmul.f32 v60, v1;
	v0 =	vadd.f32 v62, v0;
	_ =	sdelay $0x1  }
0xc4: {  	v0 =	vadd.f32 v1, v0  }
0xc5: {  	s23 =	sadd.s32 $0x30, s23  }
0xc6: {  	s22 =	sadd.s32 $0x1, s22;
	[tilespmem:s23+$0xFFFFFFE0] =	vst v63;
	v1 =	vmul.f32 v0, v63  }
0xc7: {  	p0 =	sne.s32 s22, s9;
	[tilespmem:s23+$0x0] =	vst v0  }
.Ltmp1:
0xc8: {  	[tilespmem:s23+$0xFFFFFFF0] =	vst v1;
	(pc) =	sbr.rel @p0 .LBB2_1-.Ltmp1, $4  }
0xc9: {  	[hbm4b:s8+s2] =	stream.linear.scatter [tilespmem:s21], [sflag:$0x3], $0x6000, $0x38;
	[tilespmem:$0x12C80] =	vst v63  }
0xca: {  	_ =	swait.ge [sflag:s10], $0x6000  }
0xcb: {  	[sflag:s10] =	ssyncset.done $0x0  }
0xcc: {  	[sflag:s10] =	ssyncadd.s32 $0xFFFFA000  }
0xcd: {  	_ =	sfence.sel $0x180000  }
0xce: {  	[bflag:$0x0] =	sbarrier.arrive $0xFFFF  }
0xcf: {  	_ =	strace $0x90000047  }
0xd0: {  	s0 =	stileid.u32;
	[bflag:$0x2] =	sbarrier.arrive $0xFFFF  }
0xd1: {  	p0 =	sne.s32 s0, $0x0;
	s0 =	rddreg [dreg:$0x3]  }
0xd2: {  	s0 =	sadd.s32 @!p0 $0x100000, s0  }
0xd3: {  	[sflag:s0] =	ssyncadd.tile.s32 @!p0 $0x1;
	_ =	shalt  }
.Lfunc_end2:
_tile_overlayer_lowered:
.L_overlay_start_2:
0xd4: {  	(tag) =	ssettag $0x2  }
0xd5: {  	s0 =	rddreg [dreg:$0x0];
	s2 =	stileid.u32  }
0xd6: {  	s1 =	rddreg [dreg:$0x1];
	p0 =	sne.s32 s2, $0x0  }
0xd7: {  	s3 =	rddreg [dreg:$0x2];
	[bflag:$0x3] =	sbarrier.arrive $0xFFFF;
	s2 =	simm.s32 @!p0 $0x1C03  }
0xd8: {  	[timem:s3], [sflag:s2] =	dma.local @!p0 [hbm:s0], s1  }
0xd9: {  	s0 =	simm.s32 @!p0 $0x3  }
0xda: {  	_ =	swait.ge @!p0 [sflag:s0], s1  }
0xdb: {  	s1 =	ssub.s32 @!p0 $0x0, s1;
	[sflag:s0] =	ssyncset.done @!p0 $0x0  }
0xdc: {  	[sflag:s0] =	ssyncadd.s32 @!p0 s1  }
0xdd: {  	[bflag:$0x3] =	sbarrier.arrive $0xFFFF  }
0xde: {  	_ =	shalt  }

</sc_bundles>
